<compile_context>
chip_gen: v7x
topology: tpu7x:2x2x1
jax: 0.10.2.dev20260603
libtpu: 0.0.44.dev20260713+nightly
codegen_flags: <defaults>
</compile_context>

<pallas_src>
import functools

import jax
import jax.numpy as jnp
from jax import lax
from jax.experimental import pallas as pl
from jax.experimental.pallas import tpu as pltpu
from jax.experimental.pallas import tpu_sc as plsc


def _plan(n, nw):
    best = None
    for c in range(1, 64):
        t = -(-n // (nw * c))
        t = -(-t // 8) * 8
        if t > 128:
            continue
        key = (nw * c * t, c)
        if best is None or key < best[0]:
            best = (key, (c, t))
    return best[1]


@functools.lru_cache(maxsize=None)
def _build(grad_sizes, idx_sizes):
    info = plsc.get_sparse_core_info()
    nw = info.num_cores * info.num_subcores
    nc = info.num_cores
    plans = [_plan(n, nw) for n in idx_sizes]
    offs = []
    o = 0
    for c, t in plans:
        offs.append(o)
        o += c * t
    width = o

    def body(g0, g1, g2, g3, ih, oh, iv, vv, s0):
        gs = (g0, g1, g2, g3)
        w = lax.axis_index("s") * nc + lax.axis_index("c")
        pltpu.sync_copy(ih.at[w], iv)
        descs = []
        for g, off, (c, t) in zip(gs, offs, plans):
            for j in range(c):
                sl = pl.ds(off + j * t, t)
                descs.append(pltpu.async_copy(g.at[iv.at[sl]], vv.at[sl], s0))
        for d in descs:
            d.wait()
        pltpu.sync_copy(vv, oh.at[w])

    kfn = pl.kernel(
        body,
        out_type=jax.ShapeDtypeStruct((nw, width), jnp.float32),
        mesh=plsc.VectorSubcoreMesh(core_axis_name="c", subcore_axis_name="s"),
        scratch_types=[
            pltpu.VMEM((width,), jnp.int32),
            pltpu.VMEM((width,), jnp.float32),
            pltpu.SemaphoreType.DMA,
        ],
    )
    return kfn, plans, offs, nw


def _tile_view(g):
    if g.ndim == 1:
        return g, None
    r, c = g.shape
    if r % 8 == 0 and c % 128 == 0:
        v = g.reshape(r // 8, 8, c // 128, 128).transpose(0, 2, 1, 3)
        return v.reshape(-1), c
    return g.reshape(-1), None


def _phys_idx(idx, c):
    if c is None:
        return idx
    r_i = idx // c
    c_i = idx - r_i * c
    tile = (r_i >> 3) * (c >> 7) + (c_i >> 7)
    return (tile << 10) + ((r_i & 7) << 7) + (c_i & 127)


def kernel(grad_0, grad_1, grad_2, grad_3,
           indices_0, indices_1, indices_2, indices_3):
    views = [_tile_view(g) for g in (grad_0, grad_1, grad_2, grad_3)]
    grads = [v for v, _ in views]
    idxs = [indices_0, indices_1, indices_2, indices_3]
    ns = tuple(int(i.shape[0]) for i in idxs)
    kfn, plans, offs, nw = _build(tuple(int(g.shape[0]) for g in grads), ns)
    cols = []
    for idx, (_, cdim), (c, t) in zip(idxs, views, plans):
        p = nw * c * t
        i32 = _phys_idx(idx.astype(jnp.int32), cdim)
        cols.append(jnp.pad(i32, (0, p - i32.shape[0])).reshape(nw, c * t))
    idx_cat = jnp.concatenate(cols, axis=1)
    out = kfn(*grads, idx_cat)
    parts = [
        lax.slice(out, (0, off), (nw, off + c * t)).reshape(-1)[:n]
        for off, (c, t), n in zip(offs, plans, ns)
    ]
    return jnp.concatenate(parts).reshape(1, -1)

# --- scband reference (transcript-rebuilt; emitter-appended) ---
"""Pipeline reference for scband-param-selector-26190710571659 (READ-ONLY COPY).

The authoritative reference and input builder live on the scoring server;
editing this copy changes nothing except your own understanding.
"""

import jax, jax.numpy as jnp
import numpy as np

SZ = 1024
FRAC = 0.001
PARAM_SHAPES = [(4096, 4096), (4096,), (8192, 4096), (8192,)]


def _make_indices():
    idx_list = []
    for i, shape in enumerate(PARAM_SHAPES):
        n = int(np.prod(shape))
        num_select = max(SZ, int(round(n * FRAC)))
        k = jax.random.fold_in(jax.random.key(42), i)
        perm = jax.random.permutation(k, n)
        idx_list.append(jnp.sort(perm[:num_select]))
    return idx_list


def setup_inputs(seed: int = 0):
    key = jax.random.key(seed)
    inp = {}
    for i, shape in enumerate(PARAM_SHAPES):
        key, sub = jax.random.split(key)
        inp[f'grad_{i}'] = jax.random.normal(sub, shape, dtype=jnp.float32)
    for i, idx in enumerate(_make_indices()):
        inp[f'indices_{i}'] = idx
    return inp


def reference(grad_0, grad_1, grad_2, grad_3, indices_0, indices_1, indices_2, indices_3):
    grads = [grad_0, grad_1, grad_2, grad_3]
    indices = [indices_0, indices_1, indices_2, indices_3]
    selected_list = []
    for g, idx in zip(grads, indices):
        g_flat = g.reshape(1, -1)
        selected = jnp.take(g_flat, idx, axis=1)
        selected_list.append(selected)
    return jnp.concatenate(selected_list, axis=1)

if __name__ == "__main__":
    import jax
    _d = setup_inputs()
    print(jax.jit(kernel)(*tuple(_d.values())))

</pallas_src>

<mosaic_0001>
#map = affine_map<(d0, d1) -> (0)>
#map1 = affine_map<(d0, d1) -> (0, 0)>
module attributes {stable_mosaic.version = 14 : i64} {
  func.func @body(%arg0: i32, %arg1: i32, %arg2: memref<16777216xf32, #tpu.memory_space<hbm>>, %arg3: memref<4096xf32, #tpu.memory_space<hbm>>, %arg4: memref<33554432xf32, #tpu.memory_space<hbm>>, %arg5: memref<8192xf32, #tpu.memory_space<hbm>>, %arg6: memref<32x1648xi32, #tpu.memory_space<hbm>>, %arg7: memref<32x1648xf32, #tpu.memory_space<hbm>>, %arg8: memref<1648xi32, #tpu.memory_space<vmem>>, %arg9: memref<1648xf32, #tpu.memory_space<vmem>>, %arg10: memref<!tpu.dma_semaphore, #tpu.memory_space<semaphore_mem>>) attributes {dimension_semantics = [#tpu.dimension_semantics<core_parallel>, #tpu.dimension_semantics<subcore_parallel>], iteration_bounds = array<i64: 2, 16>, scalar_prefetch = 0 : i64, scratch_operands = 3 : i64, tpu.core_type = #tpu.core_type<sc_vector_subcore>, window_params = [{transform_indices = #map}, {transform_indices = #map}, {transform_indices = #map}, {transform_indices = #map}, {transform_indices = #map1}, {transform_indices = #map1}]} {
    %mul3A = arith.constant 2 : i32
    %mul3A_0 = arith.muli %arg1, %mul3A : i32
    %add3A = arith.addi %mul3A_0, %arg0 : i32
    "tpu.region"() ({
      %run_scoped3A = tpu.sem_alloc : memref<!tpu.dma_semaphore, #tpu.memory_space<semaphore_mem>>
      %dma_start3A_227 = arith.constant 0 : i32
      %dma_start3A_228 = tpu.memref_slice %arg6[%add3A, %dma_start3A_227] : memref<32x1648xi32, #tpu.memory_space<hbm>> -> memref<1x1648xi32, #tpu.memory_space<hbm>>
      %dma_start3A_229 = tpu.memref_squeeze %dma_start3A_228 : memref<1x1648xi32, #tpu.memory_space<hbm>> -> memref<1648xi32, #tpu.memory_space<hbm>>
      %dma_start3A_230 = arith.constant 0 : i32
      %dma_start3A_231 = tpu.memref_slice %arg6[%add3A, %dma_start3A_230] : memref<32x1648xi32, #tpu.memory_space<hbm>> -> memref<1x1648xi32, #tpu.memory_space<hbm>>
      %dma_start3A_232 = tpu.memref_squeeze %dma_start3A_231 : memref<1x1648xi32, #tpu.memory_space<hbm>> -> memref<1648xi32, #tpu.memory_space<hbm>>
      tpu.enqueue_dma source(%dma_start3A_232 : memref<1648xi32, #tpu.memory_space<hbm>>) target(%arg8 : memref<1648xi32, #tpu.memory_space<vmem>>) target_semaphore(%run_scoped3A : memref<!tpu.dma_semaphore, #tpu.memory_space<semaphore_mem>>)
      %dma_wait3A_233 = arith.constant 0 : i32
      %dma_wait3A_234 = tpu.memref_slice %arg6[%add3A, %dma_wait3A_233] : memref<32x1648xi32, #tpu.memory_space<hbm>> -> memref<1x1648xi32, #tpu.memory_space<hbm>>
      %dma_wait3A_235 = tpu.memref_squeeze %dma_wait3A_234 : memref<1x1648xi32, #tpu.memory_space<hbm>> -> memref<1648xi32, #tpu.memory_space<hbm>>
      %dma_wait3A_236 = arith.constant 0 : i32
      %dma_wait3A_237 = tpu.memref_slice %arg6[%add3A, %dma_wait3A_236] : memref<32x1648xi32, #tpu.memory_space<hbm>> -> memref<1x1648xi32, #tpu.memory_space<hbm>>
      %dma_wait3A_238 = tpu.memref_squeeze %dma_wait3A_237 : memref<1x1648xi32, #tpu.memory_space<hbm>> -> memref<1648xi32, #tpu.memory_space<hbm>>
      tpu.wait_dma2 semaphore(%run_scoped3A : memref<!tpu.dma_semaphore, #tpu.memory_space<semaphore_mem>>) src(%dma_wait3A_238 : memref<1648xi32, #tpu.memory_space<hbm>>) dst(%arg8 : memref<1648xi32, #tpu.memory_space<vmem>>)
      tpu.yield
    }) : () -> ()
    %dma_start3A = arith.constant 0 : i32
    %dma_start3A_1 = tpu.memref_slice %arg9[%dma_start3A] : memref<1648xf32, #tpu.memory_space<vmem>> -> memref<88xf32, #tpu.memory_space<vmem>>
    %dma_start3A_2 = arith.constant 0 : i32
    %dma_start3A_3 = tpu.memref_slice %arg8[%dma_start3A_2] : memref<1648xi32, #tpu.memory_space<vmem>> -> memref<88xi32, #tpu.memory_space<vmem>>
    %dma_start3A_4 = arith.constant 0 : i32
    %dma_start3A_5 = tpu.memref_slice %arg2[%dma_start3A_4] : memref<16777216xf32, #tpu.memory_space<hbm>> -> memref<16777216xf32, #tpu.memory_space<hbm>>
    tpu.enqueue_indirect_dma source(%dma_start3A_5 : memref<16777216xf32, #tpu.memory_space<hbm>>) target(%dma_start3A_1 : memref<88xf32, #tpu.memory_space<vmem>>) offsets(%dma_start3A_3 : memref<88xi32, #tpu.memory_space<vmem>>) semaphore(%arg10 : memref<!tpu.dma_semaphore, #tpu.memory_space<semaphore_mem>>)
    %dma_start3A_6 = arith.constant 88 : i32
    %dma_start3A_7 = tpu.memref_slice %arg9[%dma_start3A_6] : memref<1648xf32, #tpu.memory_space<vmem>> -> memref<88xf32, #tpu.memory_space<vmem>>
    %dma_start3A_8 = arith.constant 88 : i32
    %dma_start3A_9 = tpu.memref_slice %arg8[%dma_start3A_8] : memref<1648xi32, #tpu.memory_space<vmem>> -> memref<88xi32, #tpu.memory_space<vmem>>
    %dma_start3A_10 = arith.constant 0 : i32
    %dma_start3A_11 = tpu.memref_slice %arg2[%dma_start3A_10] : memref<16777216xf32, #tpu.memory_space<hbm>> -> memref<16777216xf32, #tpu.memory_space<hbm>>
    tpu.enqueue_indirect_dma source(%dma_start3A_11 : memref<16777216xf32, #tpu.memory_space<hbm>>) target(%dma_start3A_7 : memref<88xf32, #tpu.memory_space<vmem>>) offsets(%dma_start3A_9 : memref<88xi32, #tpu.memory_space<vmem>>) semaphore(%arg10 : memref<!tpu.dma_semaphore, #tpu.memory_space<semaphore_mem>>)
    %dma_start3A_12 = arith.constant 176 : i32
    %dma_start3A_13 = tpu.memref_slice %arg9[%dma_start3A_12] : memref<1648xf32, #tpu.memory_space<vmem>> -> memref<88xf32, #tpu.memory_space<vmem>>
    %dma_start3A_14 = arith.constant 176 : i32
    %dma_start3A_15 = tpu.memref_slice %arg8[%dma_start3A_14] : memref<1648xi32, #tpu.memory_space<vmem>> -> memref<88xi32, #tpu.memory_space<vmem>>
    %dma_start3A_16 = arith.constant 0 : i32
    %dma_start3A_17 = tpu.memref_slice %arg2[%dma_start3A_16] : memref<16777216xf32, #tpu.memory_space<hbm>> -> memref<16777216xf32, #tpu.memory_space<hbm>>
    tpu.enqueue_indirect_dma source(%dma_start3A_17 : memref<16777216xf32, #tpu.memory_space<hbm>>) target(%dma_start3A_13 : memref<88xf32, #tpu.memory_space<vmem>>) offsets(%dma_start3A_15 : memref<88xi32, #tpu.memory_space<vmem>>) semaphore(%arg10 : memref<!tpu.dma_semaphore, #tpu.memory_space<semaphore_mem>>)
    %dma_start3A_18 = arith.constant 264 : i32
    %dma_start3A_19 = tpu.memref_slice %arg9[%dma_start3A_18] : memref<1648xf32, #tpu.memory_space<vmem>> -> memref<88xf32, #tpu.memory_space<vmem>>
    %dma_start3A_20 = arith.constant 264 : i32
    %dma_start3A_21 = tpu.memref_slice %arg8[%dma_start3A_20] : memref<1648xi32, #tpu.memory_space<vmem>> -> memref<88xi32, #tpu.memory_space<vmem>>
    %dma_start3A_22 = arith.constant 0 : i32
    %dma_start3A_23 = tpu.memref_slice %arg2[%dma_start3A_22] : memref<16777216xf32, #tpu.memory_space<hbm>> -> memref<16777216xf32, #tpu.memory_space<hbm>>
    tpu.enqueue_indirect_dma source(%dma_start3A_23 : memref<16777216xf32, #tpu.memory_space<hbm>>) target(%dma_start3A_19 : memref<88xf32, #tpu.memory_space<vmem>>) offsets(%dma_start3A_21 : memref<88xi32, #tpu.memory_space<vmem>>) semaphore(%arg10 : memref<!tpu.dma_semaphore, #tpu.memory_space<semaphore_mem>>)
    %dma_start3A_24 = arith.constant 352 : i32
    %dma_start3A_25 = tpu.memref_slice %arg9[%dma_start3A_24] : memref<1648xf32, #tpu.memory_space<vmem>> -> memref<88xf32, #tpu.memory_space<vmem>>
    %dma_start3A_26 = arith.constant 352 : i32
    %dma_start3A_27 = tpu.memref_slice %arg8[%dma_start3A_26] : memref<1648xi32, #tpu.memory_space<vmem>> -> memref<88xi32, #tpu.memory_space<vmem>>
    %dma_start3A_28 = arith.constant 0 : i32
    %dma_start3A_29 = tpu.memref_slice %arg2[%dma_start3A_28] : memref<16777216xf32, #tpu.memory_space<hbm>> -> memref<16777216xf32, #tpu.memory_space<hbm>>
    tpu.enqueue_indirect_dma source(%dma_start3A_29 : memref<16777216xf32, #tpu.memory_space<hbm>>) target(%dma_start3A_25 : memref<88xf32, #tpu.memory_space<vmem>>) offsets(%dma_start3A_27 : memref<88xi32, #tpu.memory_space<vmem>>) semaphore(%arg10 : memref<!tpu.dma_semaphore, #tpu.memory_space<semaphore_mem>>)
    %dma_start3A_30 = arith.constant 440 : i32
    %dma_start3A_31 = tpu.memref_slice %arg9[%dma_start3A_30] : memref<1648xf32, #tpu.memory_space<vmem>> -> memref<88xf32, #tpu.memory_space<vmem>>
    %dma_start3A_32 = arith.constant 440 : i32
    %dma_start3A_33 = tpu.memref_slice %arg8[%dma_start3A_32] : memref<1648xi32, #tpu.memory_space<vmem>> -> memref<88xi32, #tpu.memory_space<vmem>>
    %dma_start3A_34 = arith.constant 0 : i32
    %dma_start3A_35 = tpu.memref_slice %arg2[%dma_start3A_34] : memref<16777216xf32, #tpu.memory_space<hbm>> -> memref<16777216xf32, #tpu.memory_space<hbm>>
    tpu.enqueue_indirect_dma source(%dma_start3A_35 : memref<16777216xf32, #tpu.memory_space<hbm>>) target(%dma_start3A_31 : memref<88xf32, #tpu.memory_space<vmem>>) offsets(%dma_start3A_33 : memref<88xi32, #tpu.memory_space<vmem>>) semaphore(%arg10 : memref<!tpu.dma_semaphore, #tpu.memory_space<semaphore_mem>>)
    %dma_start3A_36 = arith.constant 528 : i32
    %dma_start3A_37 = tpu.memref_slice %arg9[%dma_start3A_36] : memref<1648xf32, #tpu.memory_space<vmem>> -> memref<32xf32, #tpu.memory_space<vmem>>
    %dma_start3A_38 = arith.constant 528 : i32
    %dma_start3A_39 = tpu.memref_slice %arg8[%dma_start3A_38] : memref<1648xi32, #tpu.memory_space<vmem>> -> memref<32xi32, #tpu.memory_space<vmem>>
    %dma_start3A_40 = arith.constant 0 : i32
    %dma_start3A_41 = tpu.memref_slice %arg3[%dma_start3A_40] : memref<4096xf32, #tpu.memory_space<hbm>> -> memref<4096xf32, #tpu.memory_space<hbm>>
    tpu.enqueue_indirect_dma source(%dma_start3A_41 : memref<4096xf32, #tpu.memory_space<hbm>>) target(%dma_start3A_37 : memref<32xf32, #tpu.memory_space<vmem>>) offsets(%dma_start3A_39 : memref<32xi32, #tpu.memory_space<vmem>>) semaphore(%arg10 : memref<!tpu.dma_semaphore, #tpu.memory_space<semaphore_mem>>)
    %dma_start3A_42 = arith.constant 560 : i32
    %dma_start3A_43 = tpu.memref_slice %arg9[%dma_start3A_42] : memref<1648xf32, #tpu.memory_space<vmem>> -> memref<96xf32, #tpu.memory_space<vmem>>
    %dma_start3A_44 = arith.constant 560 : i32
    %dma_start3A_45 = tpu.memref_slice %arg8[%dma_start3A_44] : memref<1648xi32, #tpu.memory_space<vmem>> -> memref<96xi32, #tpu.memory_space<vmem>>
    %dma_start3A_46 = arith.constant 0 : i32
    %dma_start3A_47 = tpu.memref_slice %arg4[%dma_start3A_46] : memref<33554432xf32, #tpu.memory_space<hbm>> -> memref<33554432xf32, #tpu.memory_space<hbm>>
    tpu.enqueue_indirect_dma source(%dma_start3A_47 : memref<33554432xf32, #tpu.memory_space<hbm>>) target(%dma_start3A_43 : memref<96xf32, #tpu.memory_space<vmem>>) offsets(%dma_start3A_45 : memref<96xi32, #tpu.memory_space<vmem>>) semaphore(%arg10 : memref<!tpu.dma_semaphore, #tpu.memory_space<semaphore_mem>>)
    %dma_start3A_48 = arith.constant 656 : i32
    %dma_start3A_49 = tpu.memref_slice %arg9[%dma_start3A_48] : memref<1648xf32, #tpu.memory_space<vmem>> -> memref<96xf32, #tpu.memory_space<vmem>>
    %dma_start3A_50 = arith.constant 656 : i32
    %dma_start3A_51 = tpu.memref_slice %arg8[%dma_start3A_50] : memref<1648xi32, #tpu.memory_space<vmem>> -> memref<96xi32, #tpu.memory_space<vmem>>
    %dma_start3A_52 = arith.constant 0 : i32
    %dma_start3A_53 = tpu.memref_slice %arg4[%dma_start3A_52] : memref<33554432xf32, #tpu.memory_space<hbm>> -> memref<33554432xf32, #tpu.memory_space<hbm>>
    tpu.enqueue_indirect_dma source(%dma_start3A_53 : memref<33554432xf32, #tpu.memory_space<hbm>>) target(%dma_start3A_49 : memref<96xf32, #tpu.memory_space<vmem>>) offsets(%dma_start3A_51 : memref<96xi32, #tpu.memory_space<vmem>>) semaphore(%arg10 : memref<!tpu.dma_semaphore, #tpu.memory_space<semaphore_mem>>)
    %dma_start3A_54 = arith.constant 752 : i32
    %dma_start3A_55 = tpu.memref_slice %arg9[%dma_start3A_54] : memref<1648xf32, #tpu.memory_space<vmem>> -> memref<96xf32, #tpu.memory_space<vmem>>
    %dma_start3A_56 = arith.constant 752 : i32
    %dma_start3A_57 = tpu.memref_slice %arg8[%dma_start3A_56] : memref<1648xi32, #tpu.memory_space<vmem>> -> memref<96xi32, #tpu.memory_space<vmem>>
    %dma_start3A_58 = arith.constant 0 : i32
    %dma_start3A_59 = tpu.memref_slice %arg4[%dma_start3A_58] : memref<33554432xf32, #tpu.memory_space<hbm>> -> memref<33554432xf32, #tpu.memory_space<hbm>>
    tpu.enqueue_indirect_dma source(%dma_start3A_59 : memref<33554432xf32, #tpu.memory_space<hbm>>) target(%dma_start3A_55 : memref<96xf32, #tpu.memory_space<vmem>>) offsets(%dma_start3A_57 : memref<96xi32, #tpu.memory_space<vmem>>) semaphore(%arg10 : memref<!tpu.dma_semaphore, #tpu.memory_space<semaphore_mem>>)
    %dma_start3A_60 = arith.constant 848 : i32
    %dma_start3A_61 = tpu.memref_slice %arg9[%dma_start3A_60] : memref<1648xf32, #tpu.memory_space<vmem>> -> memref<96xf32, #tpu.memory_space<vmem>>
    %dma_start3A_62 = arith.constant 848 : i32
    %dma_start3A_63 = tpu.memref_slice %arg8[%dma_start3A_62] : memref<1648xi32, #tpu.memory_space<vmem>> -> memref<96xi32, #tpu.memory_space<vmem>>
    %dma_start3A_64 = arith.constant 0 : i32
    %dma_start3A_65 = tpu.memref_slice %arg4[%dma_start3A_64] : memref<33554432xf32, #tpu.memory_space<hbm>> -> memref<33554432xf32, #tpu.memory_space<hbm>>
    tpu.enqueue_indirect_dma source(%dma_start3A_65 : memref<33554432xf32, #tpu.memory_space<hbm>>) target(%dma_start3A_61 : memref<96xf32, #tpu.memory_space<vmem>>) offsets(%dma_start3A_63 : memref<96xi32, #tpu.memory_space<vmem>>) semaphore(%arg10 : memref<!tpu.dma_semaphore, #tpu.memory_space<semaphore_mem>>)
    %dma_start3A_66 = arith.constant 944 : i32
    %dma_start3A_67 = tpu.memref_slice %arg9[%dma_start3A_66] : memref<1648xf32, #tpu.memory_space<vmem>> -> memref<96xf32, #tpu.memory_space<vmem>>
    %dma_start3A_68 = arith.constant 944 : i32
    %dma_start3A_69 = tpu.memref_slice %arg8[%dma_start3A_68] : memref<1648xi32, #tpu.memory_space<vmem>> -> memref<96xi32, #tpu.memory_space<vmem>>
    %dma_start3A_70 = arith.constant 0 : i32
    %dma_start3A_71 = tpu.memref_slice %arg4[%dma_start3A_70] : memref<33554432xf32, #tpu.memory_space<hbm>> -> memref<33554432xf32, #tpu.memory_space<hbm>>
    tpu.enqueue_indirect_dma source(%dma_start3A_71 : memref<33554432xf32, #tpu.memory_space<hbm>>) target(%dma_start3A_67 : memref<96xf32, #tpu.memory_space<vmem>>) offsets(%dma_start3A_69 : memref<96xi32, #tpu.memory_space<vmem>>) semaphore(%arg10 : memref<!tpu.dma_semaphore, #tpu.memory_space<semaphore_mem>>)
    %dma_start3A_72 = arith.constant 1040 : i32
    %dma_start3A_73 = tpu.memref_slice %arg9[%dma_start3A_72] : memref<1648xf32, #tpu.memory_space<vmem>> -> memref<96xf32, #tpu.memory_space<vmem>>
    %dma_start3A_74 = arith.constant 1040 : i32
    %dma_start3A_75 = tpu.memref_slice %arg8[%dma_start3A_74] : memref<1648xi32, #tpu.memory_space<vmem>> -> memref<96xi32, #tpu.memory_space<vmem>>
    %dma_start3A_76 = arith.constant 0 : i32
    %dma_start3A_77 = tpu.memref_slice %arg4[%dma_start3A_76] : memref<33554432xf32, #tpu.memory_space<hbm>> -> memref<33554432xf32, #tpu.memory_space<hbm>>
    tpu.enqueue_indirect_dma source(%dma_start3A_77 : memref<33554432xf32, #tpu.memory_space<hbm>>) target(%dma_start3A_73 : memref<96xf32, #tpu.memory_space<vmem>>) offsets(%dma_start3A_75 : memref<96xi32, #tpu.memory_space<vmem>>) semaphore(%arg10 : memref<!tpu.dma_semaphore, #tpu.memory_space<semaphore_mem>>)
    %dma_start3A_78 = arith.constant 1136 : i32
    %dma_start3A_79 = tpu.memref_slice %arg9[%dma_start3A_78] : memref<1648xf32, #tpu.memory_space<vmem>> -> memref<96xf32, #tpu.memory_space<vmem>>
    %dma_start3A_80 = arith.constant 1136 : i32
    %dma_start3A_81 = tpu.memref_slice %arg8[%dma_start3A_80] : memref<1648xi32, #tpu.memory_space<vmem>> -> memref<96xi32, #tpu.memory_space<vmem>>
    %dma_start3A_82 = arith.constant 0 : i32
    %dma_start3A_83 = tpu.memref_slice %arg4[%dma_start3A_82] : memref<33554432xf32, #tpu.memory_space<hbm>> -> memref<33554432xf32, #tpu.memory_space<hbm>>
    tpu.enqueue_indirect_dma source(%dma_start3A_83 : memref<33554432xf32, #tpu.memory_space<hbm>>) target(%dma_start3A_79 : memref<96xf32, #tpu.memory_space<vmem>>) offsets(%dma_start3A_81 : memref<96xi32, #tpu.memory_space<vmem>>) semaphore(%arg10 : memref<!tpu.dma_semaphore, #tpu.memory_space<semaphore_mem>>)
    %dma_start3A_84 = arith.constant 1232 : i32
    %dma_start3A_85 = tpu.memref_slice %arg9[%dma_start3A_84] : memref<1648xf32, #tpu.memory_space<vmem>> -> memref<96xf32, #tpu.memory_space<vmem>>
    %dma_start3A_86 = arith.constant 1232 : i32
    %dma_start3A_87 = tpu.memref_slice %arg8[%dma_start3A_86] : memref<1648xi32, #tpu.memory_space<vmem>> -> memref<96xi32, #tpu.memory_space<vmem>>
    %dma_start3A_88 = arith.constant 0 : i32
    %dma_start3A_89 = tpu.memref_slice %arg4[%dma_start3A_88] : memref<33554432xf32, #tpu.memory_space<hbm>> -> memref<33554432xf32, #tpu.memory_space<hbm>>
    tpu.enqueue_indirect_dma source(%dma_start3A_89 : memref<33554432xf32, #tpu.memory_space<hbm>>) target(%dma_start3A_85 : memref<96xf32, #tpu.memory_space<vmem>>) offsets(%dma_start3A_87 : memref<96xi32, #tpu.memory_space<vmem>>) semaphore(%arg10 : memref<!tpu.dma_semaphore, #tpu.memory_space<semaphore_mem>>)
    %dma_start3A_90 = arith.constant 1328 : i32
    %dma_start3A_91 = tpu.memref_slice %arg9[%dma_start3A_90] : memref<1648xf32, #tpu.memory_space<vmem>> -> memref<96xf32, #tpu.memory_space<vmem>>
    %dma_start3A_92 = arith.constant 1328 : i32
    %dma_start3A_93 = tpu.memref_slice %arg8[%dma_start3A_92] : memref<1648xi32, #tpu.memory_space<vmem>> -> memref<96xi32, #tpu.memory_space<vmem>>
    %dma_start3A_94 = arith.constant 0 : i32
    %dma_start3A_95 = tpu.memref_slice %arg4[%dma_start3A_94] : memref<33554432xf32, #tpu.memory_space<hbm>> -> memref<33554432xf32, #tpu.memory_space<hbm>>
    tpu.enqueue_indirect_dma source(%dma_start3A_95 : memref<33554432xf32, #tpu.memory_space<hbm>>) target(%dma_start3A_91 : memref<96xf32, #tpu.memory_space<vmem>>) offsets(%dma_start3A_93 : memref<96xi32, #tpu.memory_space<vmem>>) semaphore(%arg10 : memref<!tpu.dma_semaphore, #tpu.memory_space<semaphore_mem>>)
    %dma_start3A_96 = arith.constant 1424 : i32
    %dma_start3A_97 = tpu.memref_slice %arg9[%dma_start3A_96] : memref<1648xf32, #tpu.memory_space<vmem>> -> memref<96xf32, #tpu.memory_space<vmem>>
    %dma_start3A_98 = arith.constant 1424 : i32
    %dma_start3A_99 = tpu.memref_slice %arg8[%dma_start3A_98] : memref<1648xi32, #tpu.memory_space<vmem>> -> memref<96xi32, #tpu.memory_space<vmem>>
    %dma_start3A_100 = arith.constant 0 : i32
    %dma_start3A_101 = tpu.memref_slice %arg4[%dma_start3A_100] : memref<33554432xf32, #tpu.memory_space<hbm>> -> memref<33554432xf32, #tpu.memory_space<hbm>>
    tpu.enqueue_indirect_dma source(%dma_start3A_101 : memref<33554432xf32, #tpu.memory_space<hbm>>) target(%dma_start3A_97 : memref<96xf32, #tpu.memory_space<vmem>>) offsets(%dma_start3A_99 : memref<96xi32, #tpu.memory_space<vmem>>) semaphore(%arg10 : memref<!tpu.dma_semaphore, #tpu.memory_space<semaphore_mem>>)
    %dma_start3A_102 = arith.constant 1520 : i32
    %dma_start3A_103 = tpu.memref_slice %arg9[%dma_start3A_102] : memref<1648xf32, #tpu.memory_space<vmem>> -> memref<96xf32, #tpu.memory_space<vmem>>
    %dma_start3A_104 = arith.constant 1520 : i32
    %dma_start3A_105 = tpu.memref_slice %arg8[%dma_start3A_104] : memref<1648xi32, #tpu.memory_space<vmem>> -> memref<96xi32, #tpu.memory_space<vmem>>
    %dma_start3A_106 = arith.constant 0 : i32
    %dma_start3A_107 = tpu.memref_slice %arg4[%dma_start3A_106] : memref<33554432xf32, #tpu.memory_space<hbm>> -> memref<33554432xf32, #tpu.memory_space<hbm>>
    tpu.enqueue_indirect_dma source(%dma_start3A_107 : memref<33554432xf32, #tpu.memory_space<hbm>>) target(%dma_start3A_103 : memref<96xf32, #tpu.memory_space<vmem>>) offsets(%dma_start3A_105 : memref<96xi32, #tpu.memory_space<vmem>>) semaphore(%arg10 : memref<!tpu.dma_semaphore, #tpu.memory_space<semaphore_mem>>)
    %dma_start3A_108 = arith.constant 1616 : i32
    %dma_start3A_109 = tpu.memref_slice %arg9[%dma_start3A_108] : memref<1648xf32, #tpu.memory_space<vmem>> -> memref<32xf32, #tpu.memory_space<vmem>>
    %dma_start3A_110 = arith.constant 1616 : i32
    %dma_start3A_111 = tpu.memref_slice %arg8[%dma_start3A_110] : memref<1648xi32, #tpu.memory_space<vmem>> -> memref<32xi32, #tpu.memory_space<vmem>>
    %dma_start3A_112 = arith.constant 0 : i32
    %dma_start3A_113 = tpu.memref_slice %arg5[%dma_start3A_112] : memref<8192xf32, #tpu.memory_space<hbm>> -> memref<8192xf32, #tpu.memory_space<hbm>>
    tpu.enqueue_indirect_dma source(%dma_start3A_113 : memref<8192xf32, #tpu.memory_space<hbm>>) target(%dma_start3A_109 : memref<32xf32, #tpu.memory_space<vmem>>) offsets(%dma_start3A_111 : memref<32xi32, #tpu.memory_space<vmem>>) semaphore(%arg10 : memref<!tpu.dma_semaphore, #tpu.memory_space<semaphore_mem>>)
    %dma_wait3A = arith.constant 0 : i32
    %dma_wait3A_114 = tpu.memref_slice %arg9[%dma_wait3A] : memref<1648xf32, #tpu.memory_space<vmem>> -> memref<88xf32, #tpu.memory_space<vmem>>
    %dma_wait3A_115 = arith.constant 0 : i32
    %dma_wait3A_116 = tpu.memref_slice %arg8[%dma_wait3A_115] : memref<1648xi32, #tpu.memory_space<vmem>> -> memref<88xi32, #tpu.memory_space<vmem>>
    %dma_wait3A_117 = arith.constant 0 : i32
    %dma_wait3A_118 = tpu.memref_slice %arg2[%dma_wait3A_117] : memref<16777216xf32, #tpu.memory_space<hbm>> -> memref<16777216xf32, #tpu.memory_space<hbm>>
    tpu.wait_indirect_dma semaphore(%arg10 : memref<!tpu.dma_semaphore, #tpu.memory_space<semaphore_mem>>) src(%dma_wait3A_118 : memref<16777216xf32, #tpu.memory_space<hbm>>) dst(%dma_wait3A_114 : memref<88xf32, #tpu.memory_space<vmem>>)
    %dma_wait3A_119 = arith.constant 88 : i32
    %dma_wait3A_120 = tpu.memref_slice %arg9[%dma_wait3A_119] : memref<1648xf32, #tpu.memory_space<vmem>> -> memref<88xf32, #tpu.memory_space<vmem>>
    %dma_wait3A_121 = arith.constant 88 : i32
    %dma_wait3A_122 = tpu.memref_slice %arg8[%dma_wait3A_121] : memref<1648xi32, #tpu.memory_space<vmem>> -> memref<88xi32, #tpu.memory_space<vmem>>
    %dma_wait3A_123 = arith.constant 0 : i32
    %dma_wait3A_124 = tpu.memref_slice %arg2[%dma_wait3A_123] : memref<16777216xf32, #tpu.memory_space<hbm>> -> memref<16777216xf32, #tpu.memory_space<hbm>>
    tpu.wait_indirect_dma semaphore(%arg10 : memref<!tpu.dma_semaphore, #tpu.memory_space<semaphore_mem>>) src(%dma_wait3A_124 : memref<16777216xf32, #tpu.memory_space<hbm>>) dst(%dma_wait3A_120 : memref<88xf32, #tpu.memory_space<vmem>>)
    %dma_wait3A_125 = arith.constant 176 : i32
    %dma_wait3A_126 = tpu.memref_slice %arg9[%dma_wait3A_125] : memref<1648xf32, #tpu.memory_space<vmem>> -> memref<88xf32, #tpu.memory_space<vmem>>
    %dma_wait3A_127 = arith.constant 176 : i32
    %dma_wait3A_128 = tpu.memref_slice %arg8[%dma_wait3A_127] : memref<1648xi32, #tpu.memory_space<vmem>> -> memref<88xi32, #tpu.memory_space<vmem>>
    %dma_wait3A_129 = arith.constant 0 : i32
    %dma_wait3A_130 = tpu.memref_slice %arg2[%dma_wait3A_129] : memref<16777216xf32, #tpu.memory_space<hbm>> -> memref<16777216xf32, #tpu.memory_space<hbm>>
    tpu.wait_indirect_dma semaphore(%arg10 : memref<!tpu.dma_semaphore, #tpu.memory_space<semaphore_mem>>) src(%dma_wait3A_130 : memref<16777216xf32, #tpu.memory_space<hbm>>) dst(%dma_wait3A_126 : memref<88xf32, #tpu.memory_space<vmem>>)
    %dma_wait3A_131 = arith.constant 264 : i32
    %dma_wait3A_132 = tpu.memref_slice %arg9[%dma_wait3A_131] : memref<1648xf32, #tpu.memory_space<vmem>> -> memref<88xf32, #tpu.memory_space<vmem>>
    %dma_wait3A_133 = arith.constant 264 : i32
    %dma_wait3A_134 = tpu.memref_slice %arg8[%dma_wait3A_133] : memref<1648xi32, #tpu.memory_space<vmem>> -> memref<88xi32, #tpu.memory_space<vmem>>
    %dma_wait3A_135 = arith.constant 0 : i32
    %dma_wait3A_136 = tpu.memref_slice %arg2[%dma_wait3A_135] : memref<16777216xf32, #tpu.memory_space<hbm>> -> memref<16777216xf32, #tpu.memory_space<hbm>>
    tpu.wait_indirect_dma semaphore(%arg10 : memref<!tpu.dma_semaphore, #tpu.memory_space<semaphore_mem>>) src(%dma_wait3A_136 : memref<16777216xf32, #tpu.memory_space<hbm>>) dst(%dma_wait3A_132 : memref<88xf32, #tpu.memory_space<vmem>>)
    %dma_wait3A_137 = arith.constant 352 : i32
    %dma_wait3A_138 = tpu.memref_slice %arg9[%dma_wait3A_137] : memref<1648xf32, #tpu.memory_space<vmem>> -> memref<88xf32, #tpu.memory_space<vmem>>
    %dma_wait3A_139 = arith.constant 352 : i32
    %dma_wait3A_140 = tpu.memref_slice %arg8[%dma_wait3A_139] : memref<1648xi32, #tpu.memory_space<vmem>> -> memref<88xi32, #tpu.memory_space<vmem>>
    %dma_wait3A_141 = arith.constant 0 : i32
    %dma_wait3A_142 = tpu.memref_slice %arg2[%dma_wait3A_141] : memref<16777216xf32, #tpu.memory_space<hbm>> -> memref<16777216xf32, #tpu.memory_space<hbm>>
    tpu.wait_indirect_dma semaphore(%arg10 : memref<!tpu.dma_semaphore, #tpu.memory_space<semaphore_mem>>) src(%dma_wait3A_142 : memref<16777216xf32, #tpu.memory_space<hbm>>) dst(%dma_wait3A_138 : memref<88xf32, #tpu.memory_space<vmem>>)
    %dma_wait3A_143 = arith.constant 440 : i32
    %dma_wait3A_144 = tpu.memref_slice %arg9[%dma_wait3A_143] : memref<1648xf32, #tpu.memory_space<vmem>> -> memref<88xf32, #tpu.memory_space<vmem>>
    %dma_wait3A_145 = arith.constant 440 : i32
    %dma_wait3A_146 = tpu.memref_slice %arg8[%dma_wait3A_145] : memref<1648xi32, #tpu.memory_space<vmem>> -> memref<88xi32, #tpu.memory_space<vmem>>
    %dma_wait3A_147 = arith.constant 0 : i32
    %dma_wait3A_148 = tpu.memref_slice %arg2[%dma_wait3A_147] : memref<16777216xf32, #tpu.memory_space<hbm>> -> memref<16777216xf32, #tpu.memory_space<hbm>>
    tpu.wait_indirect_dma semaphore(%arg10 : memref<!tpu.dma_semaphore, #tpu.memory_space<semaphore_mem>>) src(%dma_wait3A_148 : memref<16777216xf32, #tpu.memory_space<hbm>>) dst(%dma_wait3A_144 : memref<88xf32, #tpu.memory_space<vmem>>)
    %dma_wait3A_149 = arith.constant 528 : i32
    %dma_wait3A_150 = tpu.memref_slice %arg9[%dma_wait3A_149] : memref<1648xf32, #tpu.memory_space<vmem>> -> memref<32xf32, #tpu.memory_space<vmem>>
    %dma_wait3A_151 = arith.constant 528 : i32
    %dma_wait3A_152 = tpu.memref_slice %arg8[%dma_wait3A_151] : memref<1648xi32, #tpu.memory_space<vmem>> -> memref<32xi32, #tpu.memory_space<vmem>>
    %dma_wait3A_153 = arith.constant 0 : i32
    %dma_wait3A_154 = tpu.memref_slice %arg3[%dma_wait3A_153] : memref<4096xf32, #tpu.memory_space<hbm>> -> memref<4096xf32, #tpu.memory_space<hbm>>
    tpu.wait_indirect_dma semaphore(%arg10 : memref<!tpu.dma_semaphore, #tpu.memory_space<semaphore_mem>>) src(%dma_wait3A_154 : memref<4096xf32, #tpu.memory_space<hbm>>) dst(%dma_wait3A_150 : memref<32xf32, #tpu.memory_space<vmem>>)
    %dma_wait3A_155 = arith.constant 560 : i32
    %dma_wait3A_156 = tpu.memref_slice %arg9[%dma_wait3A_155] : memref<1648xf32, #tpu.memory_space<vmem>> -> memref<96xf32, #tpu.memory_space<vmem>>
    %dma_wait3A_157 = arith.constant 560 : i32
    %dma_wait3A_158 = tpu.memref_slice %arg8[%dma_wait3A_157] : memref<1648xi32, #tpu.memory_space<vmem>> -> memref<96xi32, #tpu.memory_space<vmem>>
    %dma_wait3A_159 = arith.constant 0 : i32
    %dma_wait3A_160 = tpu.memref_slice %arg4[%dma_wait3A_159] : memref<33554432xf32, #tpu.memory_space<hbm>> -> memref<33554432xf32, #tpu.memory_space<hbm>>
    tpu.wait_indirect_dma semaphore(%arg10 : memref<!tpu.dma_semaphore, #tpu.memory_space<semaphore_mem>>) src(%dma_wait3A_160 : memref<33554432xf32, #tpu.memory_space<hbm>>) dst(%dma_wait3A_156 : memref<96xf32, #tpu.memory_space<vmem>>)
    %dma_wait3A_161 = arith.constant 656 : i32
    %dma_wait3A_162 = tpu.memref_slice %arg9[%dma_wait3A_161] : memref<1648xf32, #tpu.memory_space<vmem>> -> memref<96xf32, #tpu.memory_space<vmem>>
    %dma_wait3A_163 = arith.constant 656 : i32
    %dma_wait3A_164 = tpu.memref_slice %arg8[%dma_wait3A_163] : memref<1648xi32, #tpu.memory_space<vmem>> -> memref<96xi32, #tpu.memory_space<vmem>>
    %dma_wait3A_165 = arith.constant 0 : i32
    %dma_wait3A_166 = tpu.memref_slice %arg4[%dma_wait3A_165] : memref<33554432xf32, #tpu.memory_space<hbm>> -> memref<33554432xf32, #tpu.memory_space<hbm>>
    tpu.wait_indirect_dma semaphore(%arg10 : memref<!tpu.dma_semaphore, #tpu.memory_space<semaphore_mem>>) src(%dma_wait3A_166 : memref<33554432xf32, #tpu.memory_space<hbm>>) dst(%dma_wait3A_162 : memref<96xf32, #tpu.memory_space<vmem>>)
    %dma_wait3A_167 = arith.constant 752 : i32
    %dma_wait3A_168 = tpu.memref_slice %arg9[%dma_wait3A_167] : memref<1648xf32, #tpu.memory_space<vmem>> -> memref<96xf32, #tpu.memory_space<vmem>>
    %dma_wait3A_169 = arith.constant 752 : i32
    %dma_wait3A_170 = tpu.memref_slice %arg8[%dma_wait3A_169] : memref<1648xi32, #tpu.memory_space<vmem>> -> memref<96xi32, #tpu.memory_space<vmem>>
    %dma_wait3A_171 = arith.constant 0 : i32
    %dma_wait3A_172 = tpu.memref_slice %arg4[%dma_wait3A_171] : memref<33554432xf32, #tpu.memory_space<hbm>> -> memref<33554432xf32, #tpu.memory_space<hbm>>
    tpu.wait_indirect_dma semaphore(%arg10 : memref<!tpu.dma_semaphore, #tpu.memory_space<semaphore_mem>>) src(%dma_wait3A_172 : memref<33554432xf32, #tpu.memory_space<hbm>>) dst(%dma_wait3A_168 : memref<96xf32, #tpu.memory_space<vmem>>)
    %dma_wait3A_173 = arith.constant 848 : i32
    %dma_wait3A_174 = tpu.memref_slice %arg9[%dma_wait3A_173] : memref<1648xf32, #tpu.memory_space<vmem>> -> memref<96xf32, #tpu.memory_space<vmem>>
    %dma_wait3A_175 = arith.constant 848 : i32
    %dma_wait3A_176 = tpu.memref_slice %arg8[%dma_wait3A_175] : memref<1648xi32, #tpu.memory_space<vmem>> -> memref<96xi32, #tpu.memory_space<vmem>>
    %dma_wait3A_177 = arith.constant 0 : i32
    %dma_wait3A_178 = tpu.memref_slice %arg4[%dma_wait3A_177] : memref<33554432xf32, #tpu.memory_space<hbm>> -> memref<33554432xf32, #tpu.memory_space<hbm>>
    tpu.wait_indirect_dma semaphore(%arg10 : memref<!tpu.dma_semaphore, #tpu.memory_space<semaphore_mem>>) src(%dma_wait3A_178 : memref<33554432xf32, #tpu.memory_space<hbm>>) dst(%dma_wait3A_174 : memref<96xf32, #tpu.memory_space<vmem>>)
    %dma_wait3A_179 = arith.constant 944 : i32
    %dma_wait3A_180 = tpu.memref_slice %arg9[%dma_wait3A_179] : memref<1648xf32, #tpu.memory_space<vmem>> -> memref<96xf32, #tpu.memory_space<vmem>>
    %dma_wait3A_181 = arith.constant 944 : i32
    %dma_wait3A_182 = tpu.memref_slice %arg8[%dma_wait3A_181] : memref<1648xi32, #tpu.memory_space<vmem>> -> memref<96xi32, #tpu.memory_space<vmem>>
    %dma_wait3A_183 = arith.constant 0 : i32
    %dma_wait3A_184 = tpu.memref_slice %arg4[%dma_wait3A_183] : memref<33554432xf32, #tpu.memory_space<hbm>> -> memref<33554432xf32, #tpu.memory_space<hbm>>
    tpu.wait_indirect_dma semaphore(%arg10 : memref<!tpu.dma_semaphore, #tpu.memory_space<semaphore_mem>>) src(%dma_wait3A_184 : memref<33554432xf32, #tpu.memory_space<hbm>>) dst(%dma_wait3A_180 : memref<96xf32, #tpu.memory_space<vmem>>)
    %dma_wait3A_185 = arith.constant 1040 : i32
    %dma_wait3A_186 = tpu.memref_slice %arg9[%dma_wait3A_185] : memref<1648xf32, #tpu.memory_space<vmem>> -> memref<96xf32, #tpu.memory_space<vmem>>
    %dma_wait3A_187 = arith.constant 1040 : i32
    %dma_wait3A_188 = tpu.memref_slice %arg8[%dma_wait3A_187] : memref<1648xi32, #tpu.memory_space<vmem>> -> memref<96xi32, #tpu.memory_space<vmem>>
    %dma_wait3A_189 = arith.constant 0 : i32
    %dma_wait3A_190 = tpu.memref_slice %arg4[%dma_wait3A_189] : memref<33554432xf32, #tpu.memory_space<hbm>> -> memref<33554432xf32, #tpu.memory_space<hbm>>
    tpu.wait_indirect_dma semaphore(%arg10 : memref<!tpu.dma_semaphore, #tpu.memory_space<semaphore_mem>>) src(%dma_wait3A_190 : memref<33554432xf32, #tpu.memory_space<hbm>>) dst(%dma_wait3A_186 : memref<96xf32, #tpu.memory_space<vmem>>)
    %dma_wait3A_191 = arith.constant 1136 : i32
    %dma_wait3A_192 = tpu.memref_slice %arg9[%dma_wait3A_191] : memref<1648xf32, #tpu.memory_space<vmem>> -> memref<96xf32, #tpu.memory_space<vmem>>
    %dma_wait3A_193 = arith.constant 1136 : i32
    %dma_wait3A_194 = tpu.memref_slice %arg8[%dma_wait3A_193] : memref<1648xi32, #tpu.memory_space<vmem>> -> memref<96xi32, #tpu.memory_space<vmem>>
    %dma_wait3A_195 = arith.constant 0 : i32
    %dma_wait3A_196 = tpu.memref_slice %arg4[%dma_wait3A_195] : memref<33554432xf32, #tpu.memory_space<hbm>> -> memref<33554432xf32, #tpu.memory_space<hbm>>
    tpu.wait_indirect_dma semaphore(%arg10 : memref<!tpu.dma_semaphore, #tpu.memory_space<semaphore_mem>>) src(%dma_wait3A_196 : memref<33554432xf32, #tpu.memory_space<hbm>>) dst(%dma_wait3A_192 : memref<96xf32, #tpu.memory_space<vmem>>)
    %dma_wait3A_197 = arith.constant 1232 : i32
    %dma_wait3A_198 = tpu.memref_slice %arg9[%dma_wait3A_197] : memref<1648xf32, #tpu.memory_space<vmem>> -> memref<96xf32, #tpu.memory_space<vmem>>
    %dma_wait3A_199 = arith.constant 1232 : i32
    %dma_wait3A_200 = tpu.memref_slice %arg8[%dma_wait3A_199] : memref<1648xi32, #tpu.memory_space<vmem>> -> memref<96xi32, #tpu.memory_space<vmem>>
    %dma_wait3A_201 = arith.constant 0 : i32
    %dma_wait3A_202 = tpu.memref_slice %arg4[%dma_wait3A_201] : memref<33554432xf32, #tpu.memory_space<hbm>> -> memref<33554432xf32, #tpu.memory_space<hbm>>
    tpu.wait_indirect_dma semaphore(%arg10 : memref<!tpu.dma_semaphore, #tpu.memory_space<semaphore_mem>>) src(%dma_wait3A_202 : memref<33554432xf32, #tpu.memory_space<hbm>>) dst(%dma_wait3A_198 : memref<96xf32, #tpu.memory_space<vmem>>)
    %dma_wait3A_203 = arith.constant 1328 : i32
    %dma_wait3A_204 = tpu.memref_slice %arg9[%dma_wait3A_203] : memref<1648xf32, #tpu.memory_space<vmem>> -> memref<96xf32, #tpu.memory_space<vmem>>
    %dma_wait3A_205 = arith.constant 1328 : i32
    %dma_wait3A_206 = tpu.memref_slice %arg8[%dma_wait3A_205] : memref<1648xi32, #tpu.memory_space<vmem>> -> memref<96xi32, #tpu.memory_space<vmem>>
    %dma_wait3A_207 = arith.constant 0 : i32
    %dma_wait3A_208 = tpu.memref_slice %arg4[%dma_wait3A_207] : memref<33554432xf32, #tpu.memory_space<hbm>> -> memref<33554432xf32, #tpu.memory_space<hbm>>
    tpu.wait_indirect_dma semaphore(%arg10 : memref<!tpu.dma_semaphore, #tpu.memory_space<semaphore_mem>>) src(%dma_wait3A_208 : memref<33554432xf32, #tpu.memory_space<hbm>>) dst(%dma_wait3A_204 : memref<96xf32, #tpu.memory_space<vmem>>)
    %dma_wait3A_209 = arith.constant 1424 : i32
    %dma_wait3A_210 = tpu.memref_slice %arg9[%dma_wait3A_209] : memref<1648xf32, #tpu.memory_space<vmem>> -> memref<96xf32, #tpu.memory_space<vmem>>
    %dma_wait3A_211 = arith.constant 1424 : i32
    %dma_wait3A_212 = tpu.memref_slice %arg8[%dma_wait3A_211] : memref<1648xi32, #tpu.memory_space<vmem>> -> memref<96xi32, #tpu.memory_space<vmem>>
    %dma_wait3A_213 = arith.constant 0 : i32
    %dma_wait3A_214 = tpu.memref_slice %arg4[%dma_wait3A_213] : memref<33554432xf32, #tpu.memory_space<hbm>> -> memref<33554432xf32, #tpu.memory_space<hbm>>
    tpu.wait_indirect_dma semaphore(%arg10 : memref<!tpu.dma_semaphore, #tpu.memory_space<semaphore_mem>>) src(%dma_wait3A_214 : memref<33554432xf32, #tpu.memory_space<hbm>>) dst(%dma_wait3A_210 : memref<96xf32, #tpu.memory_space<vmem>>)
    %dma_wait3A_215 = arith.constant 1520 : i32
    %dma_wait3A_216 = tpu.memref_slice %arg9[%dma_wait3A_215] : memref<1648xf32, #tpu.memory_space<vmem>> -> memref<96xf32, #tpu.memory_space<vmem>>
    %dma_wait3A_217 = arith.constant 1520 : i32
    %dma_wait3A_218 = tpu.memref_slice %arg8[%dma_wait3A_217] : memref<1648xi32, #tpu.memory_space<vmem>> -> memref<96xi32, #tpu.memory_space<vmem>>
    %dma_wait3A_219 = arith.constant 0 : i32
    %dma_wait3A_220 = tpu.memref_slice %arg4[%dma_wait3A_219] : memref<33554432xf32, #tpu.memory_space<hbm>> -> memref<33554432xf32, #tpu.memory_space<hbm>>
    tpu.wait_indirect_dma semaphore(%arg10 : memref<!tpu.dma_semaphore, #tpu.memory_space<semaphore_mem>>) src(%dma_wait3A_220 : memref<33554432xf32, #tpu.memory_space<hbm>>) dst(%dma_wait3A_216 : memref<96xf32, #tpu.memory_space<vmem>>)
    %dma_wait3A_221 = arith.constant 1616 : i32
    %dma_wait3A_222 = tpu.memref_slice %arg9[%dma_wait3A_221] : memref<1648xf32, #tpu.memory_space<vmem>> -> memref<32xf32, #tpu.memory_space<vmem>>
    %dma_wait3A_223 = arith.constant 1616 : i32
    %dma_wait3A_224 = tpu.memref_slice %arg8[%dma_wait3A_223] : memref<1648xi32, #tpu.memory_space<vmem>> -> memref<32xi32, #tpu.memory_space<vmem>>
    %dma_wait3A_225 = arith.constant 0 : i32
    %dma_wait3A_226 = tpu.memref_slice %arg5[%dma_wait3A_225] : memref<8192xf32, #tpu.memory_space<hbm>> -> memref<8192xf32, #tpu.memory_space<hbm>>
    tpu.wait_indirect_dma semaphore(%arg10 : memref<!tpu.dma_semaphore, #tpu.memory_space<semaphore_mem>>) src(%dma_wait3A_226 : memref<8192xf32, #tpu.memory_space<hbm>>) dst(%dma_wait3A_222 : memref<32xf32, #tpu.memory_space<vmem>>)
    "tpu.region"() ({
      %run_scoped3A = tpu.sem_alloc : memref<!tpu.dma_semaphore, #tpu.memory_space<semaphore_mem>>
      %dma_start3A_227 = arith.constant 0 : i32
      %dma_start3A_228 = tpu.memref_slice %arg7[%add3A, %dma_start3A_227] : memref<32x1648xf32, #tpu.memory_space<hbm>> -> memref<1x1648xf32, #tpu.memory_space<hbm>>
      %dma_start3A_229 = tpu.memref_squeeze %dma_start3A_228 : memref<1x1648xf32, #tpu.memory_space<hbm>> -> memref<1648xf32, #tpu.memory_space<hbm>>
      %dma_start3A_230 = arith.constant 0 : i32
      %dma_start3A_231 = tpu.memref_slice %arg7[%add3A, %dma_start3A_230] : memref<32x1648xf32, #tpu.memory_space<hbm>> -> memref<1x1648xf32, #tpu.memory_space<hbm>>
      %dma_start3A_232 = tpu.memref_squeeze %dma_start3A_231 : memref<1x1648xf32, #tpu.memory_space<hbm>> -> memref<1648xf32, #tpu.memory_space<hbm>>
      tpu.enqueue_dma source(%arg9 : memref<1648xf32, #tpu.memory_space<vmem>>) target(%dma_start3A_232 : memref<1648xf32, #tpu.memory_space<hbm>>) target_semaphore(%run_scoped3A : memref<!tpu.dma_semaphore, #tpu.memory_space<semaphore_mem>>)
      %dma_wait3A_233 = arith.constant 0 : i32
      %dma_wait3A_234 = tpu.memref_slice %arg7[%add3A, %dma_wait3A_233] : memref<32x1648xf32, #tpu.memory_space<hbm>> -> memref<1x1648xf32, #tpu.memory_space<hbm>>
      %dma_wait3A_235 = tpu.memref_squeeze %dma_wait3A_234 : memref<1x1648xf32, #tpu.memory_space<hbm>> -> memref<1648xf32, #tpu.memory_space<hbm>>
      %dma_wait3A_236 = arith.constant 0 : i32
      %dma_wait3A_237 = tpu.memref_slice %arg7[%add3A, %dma_wait3A_236] : memref<32x1648xf32, #tpu.memory_space<hbm>> -> memref<1x1648xf32, #tpu.memory_space<hbm>>
      %dma_wait3A_238 = tpu.memref_squeeze %dma_wait3A_237 : memref<1x1648xf32, #tpu.memory_space<hbm>> -> memref<1648xf32, #tpu.memory_space<hbm>>
      tpu.wait_dma2 semaphore(%run_scoped3A : memref<!tpu.dma_semaphore, #tpu.memory_space<semaphore_mem>>) src(%arg9 : memref<1648xf32, #tpu.memory_space<vmem>>) dst(%dma_wait3A_238 : memref<1648xf32, #tpu.memory_space<hbm>>)
      tpu.yield
    }) : () -> ()
    return
  }
}

</mosaic_0001>

<sc_bundles>
// kernel: kernel.3.cloned.1.call-start
scs
__scs_entry_jumppad:
0x0: {  	(pc) =	sbr.rel $0x88, $3  }
0x1: {  	(tag) =	ssettag $0x0;
	lr =	simm.s32 $0x1  }
0x2: {  	[smem:$0x3F99] =	sst lr;
	_ =	strace $0xD0000000  }
0x3: {  	_ = 	snop  }
0x4: {  	_ = 	snop  }
0x5: {  	_ = 	snop  }
0x6: {  	_ = 	snop  }
0x7: {  	_ = 	snop  }
__scs_overlays_trampoline_lowered:
0x8: {  	[smem:$0x3FA8] =	sst s0  }
0x9: {  	[smem:$0x3FA9] =	sst s1  }
0xa: {  	[smem:$0x3FAA] =	sst s2  }
0xb: {  	[smem:$0x3FAB] =	sst s3  }
0xc: {  	[smem:$0x3FAC] =	sst s4  }
0xd: {  	[smem:$0x3FAD] =	sst s5  }
0xe: {  	[smem:$0x3FAE] =	sst s6  }
0xf: {  	[smem:$0x3FAF] =	sst s7  }
0x10: {  	[smem:$0x3FB0] =	sst s8  }
0x11: {  	[smem:$0x3FB1] =	sst s9;
	s0 =	simm.s32 @!p0 $0x0  }
0x12: {  	s1 =	sld [smem:$0x3F97];
	s0 =	simm.s32 @p0 $0x1  }
0x13: {  	[smem:$0x3FB2] =	sst s0;
	s0 =	simm.s32 @!p1 $0x0  }
0x14: {  	s2 =	sld [smem:$0x3F96];
	s0 =	simm.s32 @p1 $0x1  }
0x15: {  	[smem:$0x3FB3] =	sst s0;
	s0 =	simm.s32 @!p2 $0x0  }
0x16: {  	s3 =	sld [smem:$0x3FDB];
	s0 =	simm.s32 @p2 $0x1  }
0x17: {  	s4 =	simm.s32 $0x1BF5;
	[smem:$0x3FB5] =	sst s0  }
0x18: {  	s0 =	sld [smem:$0x3F98];
	_ =	swait.ge [sflag:s4], $0x0  }
0x19: {  	s7 =	sld [smem:$0x3F99]  }
0x1a: {  	s8 =	sadd.s32 $0xFFFFE003, lr  }
0x1b: {  	s9 =	sadd.s32 $0xFFFFFEF7, lr;
	s5 =	simm.s32 $0xFFFFFFFF;
	p2 =	slt.u32 s8, $0xFFFFF086  }
0x1c: {  	p1 =	slt.u32 s9, $0xF7A;
	s5 =	simm.s32 @!p2 $0x0  }
0x1d: {  	s5 =	simm.s32 @p1 $0x1;
	p0 =	seq.s32 s7, s2  }
0x1e: {  	s7 =	smul.u32 @!p0 $0xF7A, s2;
	p2 =	seq.s32 @!p0 s5, $0x0  }
0x1f: {  	s9 =	smul.u32 $0xF7A, s1;
	s8 =	simm.s32 @!p0 $0x1BF5;
	p2 =	por !p2, p0  }
0x20: {  	[sflag:s8] =	ssyncset.s32 @!p0 $0xFFFFF086;
	s6 =	sadd.s32 @!p0 s3, s7;
	s7 =	simm.s32 @!p0 $0x108  }
0x21: {  	s3 =	sadd.s32 s3, s9;
	s6 =	sadd.s32 @!p0 $0x88, s6;
	s7 =	simm.s32 @p2 $0x1082  }
0x22: {  	[simem:s7], [sflag:s8] =	dma.local @!p0 [hbm:s6], $0xF7A  }
0x23: {  	s9 =	sor.u32 $0xD0000000, s2;
	s6 =	simm.s32 $0x108;
	_ =	swait.ge @!p0 [sflag:s8], $0x0  }
0x24: {  	s3 =	sadd.s32 $0x88, s3;
	s6 =	simm.s32 @!p1 $0x1082;
	[sflag:s4] =	ssyncset.s32 $0xFFFFF086  }
0x25: {  	[simem:s6], [sflag:s4] =	dma.local [hbm:s3], $0xF7A  }
0x26: {  	[smem:$0x3F99] =	sst s1;
	(tag) =	ssettag s2;
	_ =	strace s9  }
0x27: {  	s1 =	sld [smem:$0x3FA9]  }
0x28: {  	s2 =	sld [smem:$0x3FAA]  }
0x29: {  	s4 =	sld [smem:$0x3FAC]  }
0x2a: {  	p0 =	seq.s32 s5, $0x0;
	s5 =	sld [smem:$0x3FAD]  }
0x2b: {  	s6 =	sld [smem:$0x3FAE]  }
0x2c: {  	s7 =	sld [smem:$0x3FAF]  }
0x2d: {  	s3 =	simm.s32 $0x108;
	s8 =	sld [smem:$0x3FB0]  }
0x2e: {  	s3 =	simm.s32 @!p0 $0x1082;
	s9 =	sld [smem:$0x3FB1]  }
0x2f: {  	lr =	sadd.s32 s0, s3;
	s0 =	sld [smem:$0x3FA8]  }
0x30: {  	s3 =	sld [smem:$0x3FAB]  }
0x31: {  	[smem:$0x3FB4] =	sst s10  }
0x32: {  	s10 =	sld [smem:$0x3FB2];
	_ =	sdelay $0x3  }
0x33: {  	p0 =	seq.s32 s10, $0x1;
	s10 =	sld [smem:$0x3FB4];
	_ =	sdelay $0x3  }
0x34: {  	[smem:$0x3FB4] =	sst s10  }
0x35: {  	s10 =	sld [smem:$0x3FB3];
	_ =	sdelay $0x3  }
0x36: {  	p1 =	seq.s32 s10, $0x1;
	s10 =	sld [smem:$0x3FB4];
	_ =	sdelay $0x3  }
0x37: {  	[smem:$0x3FB4] =	sst s10  }
0x38: {  	s10 =	sld [smem:$0x3FB5]  }
0x39: {  	_ = 	snop;
	(pc) =	sbr.ind lr, $3  }
0x3a: {  	_ = 	snop  }
0x3b: {  	_ = 	snop  }
0x3c: {  	p2 =	seq.s32 s10, $0x1;
	s10 =	sld [smem:$0x3FB4]  }
0x3d: {  	_ =	shalt  }
0x3e: {  	_ =	shalt  }
0x3f: {  	_ =	shalt  }
0x40: {  	_ =	shalt  }
0x41: {  	_ =	shalt  }
0x42: {  	_ =	shalt  }
0x43: {  	_ =	shalt  }
0x44: {  	_ =	shalt  }
0x45: {  	_ =	shalt  }
0x46: {  	_ =	shalt  }
0x47: {  	_ =	shalt  }
0x48: {  	_ =	shalt  }
0x49: {  	_ =	shalt  }
0x4a: {  	_ =	shalt  }
0x4b: {  	_ =	shalt  }
0x4c: {  	_ =	shalt  }
0x4d: {  	_ =	shalt  }
0x4e: {  	_ =	shalt  }
0x4f: {  	_ =	shalt  }
0x50: {  	_ =	shalt  }
0x51: {  	_ =	shalt  }
0x52: {  	_ =	shalt  }
0x53: {  	_ =	shalt  }
0x54: {  	_ =	shalt  }
0x55: {  	_ =	shalt  }
0x56: {  	_ =	shalt  }
0x57: {  	_ =	shalt  }
0x58: {  	_ =	shalt  }
0x59: {  	_ =	shalt  }
0x5a: {  	_ =	shalt  }
0x5b: {  	_ =	shalt  }
0x5c: {  	_ =	shalt  }
0x5d: {  	_ =	shalt  }
0x5e: {  	_ =	shalt  }
0x5f: {  	_ =	shalt  }
0x60: {  	_ =	shalt  }
0x61: {  	_ =	shalt  }
0x62: {  	_ =	shalt  }
0x63: {  	_ =	shalt  }
0x64: {  	_ =	shalt  }
0x65: {  	_ =	shalt  }
0x66: {  	_ =	shalt  }
0x67: {  	_ =	shalt  }
0x68: {  	_ =	shalt  }
0x69: {  	_ =	shalt  }
0x6a: {  	_ =	shalt  }
0x6b: {  	_ =	shalt  }
0x6c: {  	_ =	shalt  }
0x6d: {  	_ =	shalt  }
0x6e: {  	_ =	shalt  }
0x6f: {  	_ =	shalt  }
0x70: {  	_ =	shalt  }
0x71: {  	_ =	shalt  }
0x72: {  	_ =	shalt  }
0x73: {  	_ =	shalt  }
0x74: {  	_ =	shalt  }
0x75: {  	_ =	shalt  }
0x76: {  	_ =	shalt  }
0x77: {  	_ =	shalt  }
0x78: {  	_ =	shalt  }
0x79: {  	_ =	shalt  }
0x7a: {  	_ =	shalt  }
0x7b: {  	_ =	shalt  }
0x7c: {  	_ =	shalt  }
0x7d: {  	_ =	shalt  }
0x7e: {  	_ =	shalt  }
0x7f: {  	_ =	shalt  }
0x80: {  	_ =	shalt  }
0x81: {  	_ =	shalt  }
0x82: {  	_ =	shalt  }
0x83: {  	_ =	shalt  }
0x84: {  	_ =	shalt  }
0x85: {  	_ =	shalt  }
0x86: {  	_ =	shalt  }
0x87: {  	_ =	shalt  }
.Lfunc_end0:
.L_simem_size_0:
called_computation_lowered:
.L_overlay_start_0:
0x88: {  	s2 =	sld [smem:$0x3FD9]  }
0x89: {  	s3 =	sld [smem:$0x3FFE];
	_ =	sdelay $0x1  }
0x8a: {  	s1 =	srdreg.scid  }
0x8b: {  	s0 =	sand.u32 $0x1, s1  }
0x8c: {  	s17 =	sshll.u32 s0, $0xA;
	s2 =	sadd.s32 s3, s2  }
0x8d: {  	s2 =	sadd.s32 s2, s17  }
0x8e: {  	[smem:$0x3FC0] =	sst s2  }
0x8f: {  	_ = 	snop  }
0x90: {  	s2 =	sld [smem:$0x3FC9]  }
0x91: {  	s18 =	sld [smem:$0x3FC8]  }
0x92: {  	s4 =	sld [smem:$0x3FC7]  }
0x93: {  	s5 =	sld [smem:$0x3FC6];
	(tm) =	ssettm $0x1  }
0x94: {  	s6 =	sld [smem:$0x3FFB];
	_ =	sdelay $0x3  }
0x95: {  	_ =	strace s6  }
0x96: {  	s6 =	sld [smem:$0x3FFC];
	_ =	sdelay $0x3  }
0x97: {  	_ =	strace s6  }
0x98: {  	s6 =	sld [smem:$0x3FFD];
	_ =	sdelay $0x3  }
0x99: {  	_ =	strace s6  }
0x9a: {  	_ =	strace $0x8FFFFFFF  }
0x9b: {  	s19 =	sld [smem:$0x3FDB];
	_ =	sdelay $0x1  }
0x9c: {  	s7 =	simm.s32 $_scs_section_size  }
0x9d: {  	s8 =	simm.s32 $_size__tile_overlayer_lowered;
	s9 =	simm.s32 $_tile_overlayer_lowered  }
0x9e: {  	s22 =	simm.s32 $0x1BFF;
	s21 =	sshll.u32 s9, $0x1;
	s6 =	sadd.s32 s7, s19  }
0x9f: {  	s10 =	simm.s32 $0x0;
	s20 =	sshll.u32 s8, $0x1;
	s8 =	sadd.s32 s21, s6  }
0xa0: {  	[timem:s10], [sflag:s22] =	dma.local [hbm:s8], s20  }
0xa1: {  	_ =	swait.ge [sflag:s22], s20  }
0xa2: {  	s7 =	ssub.s32 $0x0, s20;
	[sflag:s22] =	ssyncset.done $0x0  }
0xa3: {  	[sflag:s22] =	ssyncadd.s32 s7;
	_ =	sdelay $0x1  }
0xa4: {  	s23 =	simm.s32 $0x1B8B  }
0xa5: {  	_ =	swait.ge [sflag:s23], $0x1  }
0xa6: {  	[sflag:s23] =	ssyncset.done $0x0  }
0xa7: {  	s25 =	simm.s32 $0x1B8E;
	s24 =	sld [smem:$0x3FFE];
	[sflag:s23] =	ssyncadd.s32 $0xFFFFFFFF  }
0xa8: {  	s26 =	simm.s32 $execute0_lowered;
	[smem:$0x3FD2] =	sst s25  }
0xa9: {  	s8 =	sshll.u32 s26, $0x1;
	_ =	strace $0x80000046;
	[dreg:$0x1] =	wrdreg $0xFFFFFFFF  }
0xaa: {  	s28 =	simm.s32 $_size_execute0_lowered;
	s6 =	sadd.s32 s6, s8;
	[dreg:$0x0] =	wrdreg $0x0  }
0xab: {  	s8 =	sshll.u32 s28, $0x1;
	[dreg:$0x2] =	wrdreg s6  }
0xac: {  	[dreg:$0x3] =	wrdreg s8  }
0xad: {  	[dreg:$0x4] =	wrdreg $0xC0  }
0xae: {  	_ =	task [dreg:s10], $0x5FFFF  }
0xaf: {  	[dreg:$0x1] =	wrdreg $0xFFFFFFFF  }
0xb0: {  	[dreg:$0x0] =	wrdreg $0x60  }
0xb1: {  	[dreg:$0x2] =	wrdreg s2  }
0xb2: {  	[dreg:$0x3] =	wrdreg s18  }
0xb3: {  	[dreg:$0x4] =	wrdreg s4  }
0xb4: {  	[dreg:$0x5] =	wrdreg s5  }
0xb5: {  	[dreg:$0x6] =	wrdreg s24  }
0xb6: {  	[dreg:$0x7] =	wrdreg $0x9  }
0xb7: {  	_ =	task.clear_ibuf [dreg:s10], $0x8FFFF;
	_ =	strace $0x90000046  }
0xb8: {  	s29 =	simm.s32 $0x9;
	_ =	strace $0x80000048  }
0xb9: {  	_ =	swait.ge [sflag:s29], $0x1  }
0xba: {  	[sflag:s29] =	ssyncadd.s32 $0xFFFFFFFF  }
0xbb: {  	_ =	strace $0x90000048  }
0xbc: {  	_ =	sfence  }
0xbd: {  	s30 =	sld [smem:$0x0];
	_ =	sdelay $0x2  }
0xbe: {  	s31 =	sshll.u32 s1, $0xD;
	s1 =	sshrl.u32 s1, $0x2  }
0xbf: {  	s3 =	sand.u32 $0x4000, s31;
	s1 =	sadd.s32 s1, s30  }
0xc0: {  	s0 =	sor.u32 s3, s0;
	s1 =	sshll.u32 s1, $0x11  }
0xc1: {  	s0 =	sor.u32 s1, s0  }
0xc2: {  	s0 =	sadd.s32 $0x8F2B, s0  }
0xc3: {  	[sflag:s0] =	ssyncadd.remote.s32 $0x1  }
0xc4: {  	_ =	sfence.sel $0xFFFF  }
0xc5: {  	[dreg:$0x0] =	wrdreg $0xFFFFFFFF;
	(pc) =	sbr.abs _section_cstart, $3  }
0xc6: {  	[dreg:$0x1] =	wrdreg $0xFFFFFFFF  }
0xc7: {  	_ =	task.clear_ibuf [dreg:s10], $0x2FFFF;
	_ =	strace $0x9FFFFFFF  }
0xc8: {  	(tm) =	ssettm $0x7FFFFFFF  }
0xc9: {  	_ =	shalt  }
tec
execute0_lowered:
.L_overlay_start_1:
0x0: {  	(tag) =	ssettag $0x1  }
0x1: {  	s1 =	rddreg [dreg:$0x0]  }
0x2: {  	s0 =	rddreg [dreg:$0x1]  }
0x3: {  	s3 =	rddreg [dreg:$0x2]  }
0x4: {  	s4 =	rddreg [dreg:$0x3]  }
0x5: {  	s10 =	rddreg [dreg:$0x4]  }
0x6: {  	[dreg:$0x6] =	wrdreg s0  }
0x7: {  	[dreg:$0x7] =	wrdreg s4;
	s4 =	simm.s32 $0x0  }
0x8: {  	s11 =	simm.s32 $0x6D8;
	[smem:$0x7FF] =	sst s4  }
0x9: {  	s12 =	simm.s32 $0xB0;
	_ =	strace $0x80000047;
	[dreg:$0xa] =	wrdreg s11  }
0xa: {  	s13 =	simm.s32 $0x730;
	[dreg:$0xb] =	wrdreg s12  }
0xb: {  	s14 =	simm.s32 $0x108;
	[dreg:$0xc] =	wrdreg s13  }
0xc: {  	s15 =	simm.s32 $0x788;
	[dreg:$0xd] =	wrdreg s14  }
0xd: {  	s2 =	srdreg.scid;
	s16 =	simm.s32 $0x160;
	[dreg:$0xe] =	wrdreg s15  }
0xe: {  	s8 =	stileid.u32;
	s17 =	simm.s32 $0x7E0;
	[dreg:$0xf] =	wrdreg s16  }
0xf: {  	s18 =	simm.s32 $0x1B8;
	s19 =	simm.s32 $0x838;
	[dreg:$0x10] =	wrdreg s17  }
0x10: {  	s20 =	simm.s32 $0x210;
	s21 =	simm.s32 $0x890;
	[dreg:$0x11] =	wrdreg s18  }
0x11: {  	s22 =	simm.s32 $0x230;
	s23 =	simm.s32 $0x8B0;
	[dreg:$0x12] =	wrdreg s19  }
0x12: {  	s2 =	sand.u32 $0x1, s2;
	s5 =	sshrl.u32 s8, $0x2;
	[dreg:$0x13] =	wrdreg s20  }
0x13: {  	s6 =	sshll.u32 s8, $0x8;
	s5 =	smul.u32 $0x3400, s5;
	[dreg:$0x14] =	wrdreg s21  }
0x14: {  	s7 =	sshll.u32 s2, $0x7;
	s6 =	sand.u32 $0x300, s6;
	[dreg:$0x15] =	wrdreg s22  }
0x15: {  	s24 =	simm.s32 $0x290;
	s9 =	sor.u32 s7, s6;
	[dreg:$0x16] =	wrdreg s23  }
0x16: {  	s25 =	simm.s32 $0x910;
	[dreg:$0x17] =	wrdreg s24;
	s5 =	sor.u32 s5, s9  }
0x17: {  	s26 =	simm.s32 $0x2F0;
	[dreg:$0x18] =	wrdreg s25;
	s5 =	sshrl.u32 s5, $0x3  }
0x18: {  	[dreg:$0x19] =	wrdreg s26;
	s9 =	simm.s32 $0x970;
	s5 =	sadd.s32 s5, s10  }
0x19: {  	[dreg:$0x1a] =	wrdreg s9;
	s6 =	sadd.s32 $0x600, s5  }
0x1a: {  	s5 =	sadd.s32 $0x2000, s5;
	[dreg:$0x8] =	wrdreg s6  }
0x1b: {  	s7 =	simm.s32 $0x400;
	[dreg:$0x9] =	wrdreg s5  }
0x1c: {  	s5 =	simm.s32 $0x80;
	s6 =	simm.s32 $0x2;
	s8 =	rddreg [dreg:$0x8]  }
0x1d: {  	[tilespmem:s4], [sflag:$0x2] =	stream.strided.gather [hbm4b:s8+s5], $0x680, s7, s5, $0x38;
	[tilespmem:$0xD00] =	vst v63  }
0x1e: {  	_ =	swait.ge [sflag:s6], $0x680  }
0x1f: {  	s12 =	rddreg [dreg:$0x1a]  }
0x20: {  	s13 =	rddreg [dreg:$0x18]  }
0x21: {  	s14 =	rddreg [dreg:$0x16]  }
0x22: {  	s11 =	rddreg [dreg:$0x14]  }
0x23: {  	s15 =	rddreg [dreg:$0x13]  }
0x24: {  	s10 =	rddreg [dreg:$0x12]  }
0x25: {  	s16 =	rddreg [dreg:$0x10]  }
0x26: {  	s9 =	simm.s32 $0x58;
	s17 =	rddreg [dreg:$0xb];
	[sflag:s6] =	ssyncset.done $0x0  }
0x27: {  	s8 =	simm.s32 $0x680;
	s18 =	rddreg [dreg:$0xa];
	[sflag:s6] =	ssyncadd.s32 $0xFFFFF980  }
0x28: {  	[tilespmem:s8], [sflag:$0x1] =	stream.indirect.gather [hbm4b:s1+s9], $0x1, s4, s9, $0xb8;
	[tilespmem:$0xD00] =	vst v63  }
0x29: {  	s19 =	rddreg [dreg:$0xc]  }
0x2a: {  	[tilespmem:s18], [sflag:$0x1] =	stream.indirect.gather [hbm4b:s1+s9], $0x1, s9, s9, $0xb8;
	[tilespmem:$0xD00] =	vst v63  }
0x2b: {  	s20 =	rddreg [dreg:$0xe]  }
0x2c: {  	[tilespmem:s19], [sflag:$0x1] =	stream.indirect.gather [hbm4b:s1+s9], $0x1, s17, s9, $0xb8;
	[tilespmem:$0xD00] =	vst v63  }
0x2d: {  	s0 =	rddreg [dreg:$0xd]  }
0x2e: {  	[tilespmem:s20], [sflag:$0x1] =	stream.indirect.gather [hbm4b:s1+s9], $0x1, s0, s9, $0xb8;
	[tilespmem:$0xD00] =	vst v63  }
0x2f: {  	s19 =	rddreg [dreg:$0xf]  }
0x30: {  	[tilespmem:s16], [sflag:$0x1] =	stream.indirect.gather [hbm4b:s1+s9], $0x1, s19, s9, $0xb8;
	[tilespmem:$0xD00] =	vst v63  }
0x31: {  	s20 =	rddreg [dreg:$0x11]  }
0x32: {  	[tilespmem:s10], [sflag:$0x1] =	stream.indirect.gather [hbm4b:s1+s9], $0x1, s20, s9, $0xb8;
	[tilespmem:$0xD00] =	vst v63  }
0x33: {  	s21 =	rddreg [dreg:$0x6];
	s10 =	simm.s32 $0x20  }
0x34: {  	[tilespmem:s11], [sflag:$0x1] =	stream.indirect.gather [hbm4b:s21+s10], $0x1, s15, s10, $0xb8;
	[tilespmem:$0xD00] =	vst v63  }
0x35: {  	s22 =	rddreg [dreg:$0x15];
	s11 =	simm.s32 $0x60  }
0x36: {  	[tilespmem:s14], [sflag:$0x1] =	stream.indirect.gather [hbm4b:s3+s11], $0x1, s22, s11, $0xb8;
	[tilespmem:$0xD00] =	vst v63  }
0x37: {  	s23 =	rddreg [dreg:$0x17]  }
0x38: {  	[tilespmem:s13], [sflag:$0x1] =	stream.indirect.gather [hbm4b:s3+s11], $0x1, s23, s11, $0xb8;
	[tilespmem:$0xD00] =	vst v63  }
0x39: {  	s24 =	rddreg [dreg:$0x19]  }
0x3a: {  	[tilespmem:s12], [sflag:$0x1] =	stream.indirect.gather [hbm4b:s3+s11], $0x1, s24, s11, $0xb8;
	[tilespmem:$0xD00] =	vst v63  }
0x3b: {  	s25 =	simm.s32 $0x350;
	s26 =	simm.s32 $0x9D0  }
0x3c: {  	[tilespmem:s26], [sflag:$0x1] =	stream.indirect.gather [hbm4b:s3+s11], $0x1, s25, s11, $0xb8;
	[tilespmem:$0xD00] =	vst v63  }
0x3d: {  	s14 =	simm.s32 $0xA30;
	s13 =	simm.s32 $0x3B0  }
0x3e: {  	[tilespmem:s14], [sflag:$0x1] =	stream.indirect.gather [hbm4b:s3+s11], $0x1, s13, s11, $0xb8;
	[tilespmem:$0xD00] =	vst v63  }
0x3f: {  	s16 =	simm.s32 $0xA90;
	s15 =	simm.s32 $0x410  }
0x40: {  	[tilespmem:s16], [sflag:$0x1] =	stream.indirect.gather [hbm4b:s3+s11], $0x1, s15, s11, $0xb8;
	[tilespmem:$0xD00] =	vst v63  }
0x41: {  	s18 =	simm.s32 $0xAF0;
	s17 =	simm.s32 $0x470  }
0x42: {  	[tilespmem:s18], [sflag:$0x1] =	stream.indirect.gather [hbm4b:s3+s11], $0x1, s17, s11, $0xb8;
	[tilespmem:$0xD00] =	vst v63  }
0x43: {  	s19 =	simm.s32 $0x4D0;
	s20 =	simm.s32 $0xB50  }
0x44: {  	[tilespmem:s20], [sflag:$0x1] =	stream.indirect.gather [hbm4b:s3+s11], $0x1, s19, s11, $0xb8;
	[tilespmem:$0xD00] =	vst v63  }
0x45: {  	s22 =	simm.s32 $0x530;
	s23 =	simm.s32 $0xBB0  }
0x46: {  	[tilespmem:s23], [sflag:$0x1] =	stream.indirect.gather [hbm4b:s3+s11], $0x1, s22, s11, $0xb8;
	[tilespmem:$0xD00] =	vst v63  }
0x47: {  	s24 =	simm.s32 $0x590;
	s25 =	simm.s32 $0xC10  }
0x48: {  	[tilespmem:s25], [sflag:$0x1] =	stream.indirect.gather [hbm4b:s3+s11], $0x1, s24, s11, $0xb8;
	[tilespmem:$0xD00] =	vst v63  }
0x49: {  	s28 =	simm.s32 $0xC70;
	s26 =	simm.s32 $0x5F0  }
0x4a: {  	[tilespmem:s28], [sflag:$0x1] =	stream.indirect.gather [hbm4b:s3+s11], $0x1, s26, s11, $0xb8;
	[tilespmem:$0xD00] =	vst v63  }
0x4b: {  	s30 =	simm.s32 $0x650;
	s31 =	simm.s32 $0xCD0;
	s29 =	rddreg [dreg:$0x7]  }
0x4c: {  	[tilespmem:s31], [sflag:$0x1] =	stream.indirect.gather [hbm4b:s29+s10], $0x1, s30, s10, $0xb8;
	[tilespmem:$0xD00] =	vst v63  }
0x4d: {  	s29 =	simm.s32 $0x1  }
0x4e: {  	_ =	swait.ge [sflag:s29], $0x58  }
0x4f: {  	[sflag:s29] =	ssyncset.done $0x0  }
0x50: {  	[sflag:s29] =	ssyncadd.s32 $0xFFFFFFA8  }
0x51: {  	_ =	swait.ge [sflag:s29], $0x58  }
0x52: {  	[sflag:s29] =	ssyncset.done $0x0  }
0x53: {  	[sflag:s29] =	ssyncadd.s32 $0xFFFFFFA8  }
0x54: {  	_ =	swait.ge [sflag:s29], $0x58  }
0x55: {  	[sflag:s29] =	ssyncset.done $0x0  }
0x56: {  	[sflag:s29] =	ssyncadd.s32 $0xFFFFFFA8  }
0x57: {  	_ =	swait.ge [sflag:s29], $0x58  }
0x58: {  	[sflag:s29] =	ssyncset.done $0x0  }
0x59: {  	[sflag:s29] =	ssyncadd.s32 $0xFFFFFFA8  }
0x5a: {  	_ =	swait.ge [sflag:s29], $0x58  }
0x5b: {  	[sflag:s29] =	ssyncset.done $0x0  }
0x5c: {  	[sflag:s29] =	ssyncadd.s32 $0xFFFFFFA8  }
0x5d: {  	_ =	swait.ge [sflag:s29], $0x58  }
0x5e: {  	[sflag:s29] =	ssyncset.done $0x0  }
0x5f: {  	[sflag:s29] =	ssyncadd.s32 $0xFFFFFFA8  }
0x60: {  	_ =	swait.ge [sflag:s29], $0x20  }
0x61: {  	[sflag:s29] =	ssyncset.done $0x0  }
0x62: {  	[sflag:s29] =	ssyncadd.s32 $0xFFFFFFE0  }
0x63: {  	_ =	swait.ge [sflag:s29], $0x60  }
0x64: {  	[sflag:s29] =	ssyncset.done $0x0  }
0x65: {  	[sflag:s29] =	ssyncadd.s32 $0xFFFFFFA0  }
0x66: {  	_ =	swait.ge [sflag:s29], $0x60  }
0x67: {  	[sflag:s29] =	ssyncset.done $0x0  }
0x68: {  	[sflag:s29] =	ssyncadd.s32 $0xFFFFFFA0  }
0x69: {  	_ =	swait.ge [sflag:s29], $0x60  }
0x6a: {  	[sflag:s29] =	ssyncset.done $0x0  }
0x6b: {  	[sflag:s29] =	ssyncadd.s32 $0xFFFFFFA0  }
0x6c: {  	_ =	swait.ge [sflag:s29], $0x60  }
0x6d: {  	[sflag:s29] =	ssyncset.done $0x0  }
0x6e: {  	[sflag:s29] =	ssyncadd.s32 $0xFFFFFFA0  }
0x6f: {  	_ =	swait.ge [sflag:s29], $0x60  }
0x70: {  	[sflag:s29] =	ssyncset.done $0x0  }
0x71: {  	[sflag:s29] =	ssyncadd.s32 $0xFFFFFFA0  }
0x72: {  	_ =	swait.ge [sflag:s29], $0x60  }
0x73: {  	[sflag:s29] =	ssyncset.done $0x0  }
0x74: {  	[sflag:s29] =	ssyncadd.s32 $0xFFFFFFA0  }
0x75: {  	_ =	swait.ge [sflag:s29], $0x60  }
0x76: {  	[sflag:s29] =	ssyncset.done $0x0  }
0x77: {  	[sflag:s29] =	ssyncadd.s32 $0xFFFFFFA0  }
0x78: {  	_ =	swait.ge [sflag:s29], $0x60  }
0x79: {  	s2 =	ssub.s32 $0x2, s2;
	[sflag:s29] =	ssyncset.done $0x0  }
0x7a: {  	s21 =	sshrl.u32 s2, $0x1;
	[sflag:s29] =	ssyncadd.s32 $0xFFFFFFA0  }
0x7b: {  	s0 =	ssub.s32 s2, s21;
	_ =	swait.ge [sflag:s29], $0x60  }
0x7c: {  	s0 =	smax.u32 s0, $0x1;
	[sflag:s29] =	ssyncset.done $0x0  }
0x7d: {  	p0 =	sne.s32 s0, $0x1;
	[sflag:s29] =	ssyncadd.s32 $0xFFFFFFA0  }
.Ltmp0:
0x7e: {  	_ =	swait.ge [sflag:s29], $0x60;
	(pc) =	sbr.rel @!p0 .LBB2_2-.Ltmp0, $4  }
0x7f: {  	[sflag:s29] =	ssyncset.done $0x0  }
0x80: {  	[sflag:s29] =	ssyncadd.s32 $0xFFFFFFA0  }
0x81: {  	_ =	swait.ge [sflag:s29], $0x60  }
0x82: {  	s2 =	sadd.s32 $0xFFFFFFFF, s0;
	[sflag:s29] =	ssyncset.done $0x0  }
.LBB2_1:
0x83: {  	[sflag:s29] =	ssyncadd.s32 $0xFFFFFFA0  }
0x84: {  	_ =	swait.ge [sflag:s29], $0x20  }
0x85: {  	[sflag:s29] =	ssyncset.done $0x0  }
0x86: {  	s0 =	rddreg [dreg:$0x9];
	[sflag:s29] =	ssyncadd.s32 $0xFFFFFFE0  }
0x87: {  	[hbm4b:s0+s5] =	stream.strided.scatter [tilespmem:s8], [sflag:$0x2], $0x680, s7, s5, $0x38;
	[tilespmem:$0xD00] =	vst v63  }
0x88: {  	_ =	swait.ge [sflag:s6], $0x680  }
0x89: {  	[sflag:s6] =	ssyncset.done $0x0  }
0x8a: {  	s19 =	rddreg [dreg:$0x8];
	[sflag:s6] =	ssyncadd.s32 $0xFFFFF980  }
0x8b: {  	[tilespmem:s4], [sflag:$0x2] =	stream.strided.gather [hbm4b:s19+s5], $0x680, s7, s5, $0x38;
	[tilespmem:$0xD00] =	vst v63  }
0x8c: {  	_ =	swait.ge [sflag:s6], $0x680  }
0x8d: {  	s0 =	rddreg [dreg:$0x1a]  }
0x8e: {  	s12 =	rddreg [dreg:$0x18]  }
0x8f: {  	s13 =	rddreg [dreg:$0x16]  }
0x90: {  	s14 =	rddreg [dreg:$0x14]  }
0x91: {  	s15 =	rddreg [dreg:$0x13]  }
0x92: {  	s16 =	rddreg [dreg:$0x12]  }
0x93: {  	s17 =	rddreg [dreg:$0x10]  }
0x94: {  	[sflag:s6] =	ssyncset.done $0x0;
	s18 =	rddreg [dreg:$0xb]  }
0x95: {  	s19 =	rddreg [dreg:$0xa];
	[sflag:s6] =	ssyncadd.s32 $0xFFFFF980  }
0x96: {  	[tilespmem:s8], [sflag:$0x1] =	stream.indirect.gather [hbm4b:s1+s9], $0x1, s4, s9, $0xb8;
	[tilespmem:$0xD00] =	vst v63  }
0x97: {  	s20 =	rddreg [dreg:$0xc]  }
0x98: {  	[tilespmem:s19], [sflag:$0x1] =	stream.indirect.gather [hbm4b:s1+s9], $0x1, s9, s9, $0xb8;
	[tilespmem:$0xD00] =	vst v63  }
0x99: {  	s21 =	rddreg [dreg:$0xe]  }
0x9a: {  	[tilespmem:s20], [sflag:$0x1] =	stream.indirect.gather [hbm4b:s1+s9], $0x1, s18, s9, $0xb8;
	[tilespmem:$0xD00] =	vst v63  }
0x9b: {  	s19 =	rddreg [dreg:$0xd]  }
0x9c: {  	[tilespmem:s21], [sflag:$0x1] =	stream.indirect.gather [hbm4b:s1+s9], $0x1, s19, s9, $0xb8;
	[tilespmem:$0xD00] =	vst v63  }
0x9d: {  	s20 =	rddreg [dreg:$0xf]  }
0x9e: {  	[tilespmem:s17], [sflag:$0x1] =	stream.indirect.gather [hbm4b:s1+s9], $0x1, s20, s9, $0xb8;
	[tilespmem:$0xD00] =	vst v63  }
0x9f: {  	s21 =	rddreg [dreg:$0x11]  }
0xa0: {  	[tilespmem:s16], [sflag:$0x1] =	stream.indirect.gather [hbm4b:s1+s9], $0x1, s21, s9, $0xb8;
	[tilespmem:$0xD00] =	vst v63  }
0xa1: {  	s20 =	rddreg [dreg:$0x6]  }
0xa2: {  	[tilespmem:s14], [sflag:$0x1] =	stream.indirect.gather [hbm4b:s20+s10], $0x1, s15, s10, $0xb8;
	[tilespmem:$0xD00] =	vst v63  }
0xa3: {  	s21 =	rddreg [dreg:$0x15]  }
0xa4: {  	[tilespmem:s13], [sflag:$0x1] =	stream.indirect.gather [hbm4b:s3+s11], $0x1, s21, s11, $0xb8;
	[tilespmem:$0xD00] =	vst v63  }
0xa5: {  	s18 =	rddreg [dreg:$0x17]  }
0xa6: {  	[tilespmem:s12], [sflag:$0x1] =	stream.indirect.gather [hbm4b:s3+s11], $0x1, s18, s11, $0xb8;
	[tilespmem:$0xD00] =	vst v63  }
0xa7: {  	s19 =	rddreg [dreg:$0x19]  }
0xa8: {  	[tilespmem:s0], [sflag:$0x1] =	stream.indirect.gather [hbm4b:s3+s11], $0x1, s19, s11, $0xb8;
	[tilespmem:$0xD00] =	vst v63  }
0xa9: {  	s20 =	simm.s32 $0x350;
	s21 =	simm.s32 $0x9D0  }
0xaa: {  	[tilespmem:s21], [sflag:$0x1] =	stream.indirect.gather [hbm4b:s3+s11], $0x1, s20, s11, $0xb8;
	[tilespmem:$0xD00] =	vst v63  }
0xab: {  	s14 =	simm.s32 $0xA30;
	s13 =	simm.s32 $0x3B0  }
0xac: {  	[tilespmem:s14], [sflag:$0x1] =	stream.indirect.gather [hbm4b:s3+s11], $0x1, s13, s11, $0xb8;
	[tilespmem:$0xD00] =	vst v63  }
0xad: {  	s16 =	simm.s32 $0xA90;
	s15 =	simm.s32 $0x410  }
0xae: {  	[tilespmem:s16], [sflag:$0x1] =	stream.indirect.gather [hbm4b:s3+s11], $0x1, s15, s11, $0xb8;
	[tilespmem:$0xD00] =	vst v63  }
0xaf: {  	s17 =	simm.s32 $0x470;
	s18 =	simm.s32 $0xAF0  }
0xb0: {  	[tilespmem:s18], [sflag:$0x1] =	stream.indirect.gather [hbm4b:s3+s11], $0x1, s17, s11, $0xb8;
	[tilespmem:$0xD00] =	vst v63  }
0xb1: {  	s19 =	simm.s32 $0x4D0;
	s20 =	simm.s32 $0xB50  }
0xb2: {  	[tilespmem:s20], [sflag:$0x1] =	stream.indirect.gather [hbm4b:s3+s11], $0x1, s19, s11, $0xb8;
	[tilespmem:$0xD00] =	vst v63  }
0xb3: {  	_ = 	snop  }
0xb4: {  	[tilespmem:s23], [sflag:$0x1] =	stream.indirect.gather [hbm4b:s3+s11], $0x1, s22, s11, $0xb8;
	[tilespmem:$0xD00] =	vst v63  }
0xb5: {  	_ = 	snop  }
0xb6: {  	[tilespmem:s25], [sflag:$0x1] =	stream.indirect.gather [hbm4b:s3+s11], $0x1, s24, s11, $0xb8;
	[tilespmem:$0xD00] =	vst v63  }
0xb7: {  	_ = 	snop  }
0xb8: {  	[tilespmem:s28], [sflag:$0x1] =	stream.indirect.gather [hbm4b:s3+s11], $0x1, s26, s11, $0xb8;
	[tilespmem:$0xD00] =	vst v63  }
0xb9: {  	s21 =	rddreg [dreg:$0x7]  }
0xba: {  	[tilespmem:s31], [sflag:$0x1] =	stream.indirect.gather [hbm4b:s21+s10], $0x1, s30, s10, $0xb8;
	[tilespmem:$0xD00] =	vst v63  }
0xbb: {  	_ =	swait.ge [sflag:s29], $0x58  }
0xbc: {  	[sflag:s29] =	ssyncset.done $0x0  }
0xbd: {  	[sflag:s29] =	ssyncadd.s32 $0xFFFFFFA8  }
0xbe: {  	_ =	swait.ge [sflag:s29], $0x58  }
0xbf: {  	[sflag:s29] =	ssyncset.done $0x0  }
0xc0: {  	[sflag:s29] =	ssyncadd.s32 $0xFFFFFFA8  }
0xc1: {  	_ =	swait.ge [sflag:s29], $0x58  }
0xc2: {  	[sflag:s29] =	ssyncset.done $0x0  }
0xc3: {  	[sflag:s29] =	ssyncadd.s32 $0xFFFFFFA8  }
0xc4: {  	_ =	swait.ge [sflag:s29], $0x58  }
0xc5: {  	[sflag:s29] =	ssyncset.done $0x0  }
0xc6: {  	[sflag:s29] =	ssyncadd.s32 $0xFFFFFFA8  }
0xc7: {  	_ =	swait.ge [sflag:s29], $0x58  }
0xc8: {  	[sflag:s29] =	ssyncset.done $0x0  }
0xc9: {  	[sflag:s29] =	ssyncadd.s32 $0xFFFFFFA8  }
0xca: {  	_ =	swait.ge [sflag:s29], $0x58  }
0xcb: {  	[sflag:s29] =	ssyncset.done $0x0  }
0xcc: {  	[sflag:s29] =	ssyncadd.s32 $0xFFFFFFA8  }
0xcd: {  	_ =	swait.ge [sflag:s29], $0x20  }
0xce: {  	[sflag:s29] =	ssyncset.done $0x0  }
0xcf: {  	[sflag:s29] =	ssyncadd.s32 $0xFFFFFFE0  }
0xd0: {  	_ =	swait.ge [sflag:s29], $0x60  }
0xd1: {  	[sflag:s29] =	ssyncset.done $0x0  }
0xd2: {  	[sflag:s29] =	ssyncadd.s32 $0xFFFFFFA0  }
0xd3: {  	_ =	swait.ge [sflag:s29], $0x60  }
0xd4: {  	[sflag:s29] =	ssyncset.done $0x0  }
0xd5: {  	[sflag:s29] =	ssyncadd.s32 $0xFFFFFFA0  }
0xd6: {  	_ =	swait.ge [sflag:s29], $0x60  }
0xd7: {  	[sflag:s29] =	ssyncset.done $0x0  }
0xd8: {  	[sflag:s29] =	ssyncadd.s32 $0xFFFFFFA0  }
0xd9: {  	_ =	swait.ge [sflag:s29], $0x60  }
0xda: {  	[sflag:s29] =	ssyncset.done $0x0  }
0xdb: {  	[sflag:s29] =	ssyncadd.s32 $0xFFFFFFA0  }
0xdc: {  	_ =	swait.ge [sflag:s29], $0x60  }
0xdd: {  	[sflag:s29] =	ssyncset.done $0x0  }
0xde: {  	[sflag:s29] =	ssyncadd.s32 $0xFFFFFFA0  }
0xdf: {  	_ =	swait.ge [sflag:s29], $0x60  }
0xe0: {  	[sflag:s29] =	ssyncset.done $0x0  }
0xe1: {  	[sflag:s29] =	ssyncadd.s32 $0xFFFFFFA0  }
0xe2: {  	_ =	swait.ge [sflag:s29], $0x60  }
0xe3: {  	[sflag:s29] =	ssyncset.done $0x0  }
0xe4: {  	[sflag:s29] =	ssyncadd.s32 $0xFFFFFFA0  }
0xe5: {  	_ =	swait.ge [sflag:s29], $0x60  }
0xe6: {  	[sflag:s29] =	ssyncset.done $0x0  }
0xe7: {  	[sflag:s29] =	ssyncadd.s32 $0xFFFFFFA0  }
0xe8: {  	_ =	swait.ge [sflag:s29], $0x60  }
0xe9: {  	[sflag:s29] =	ssyncset.done $0x0  }
0xea: {  	p0 =	sne.s32 s2, $0x1;
	[sflag:s29] =	ssyncadd.s32 $0xFFFFFFA0  }
.Ltmp1:
0xeb: {  	_ =	swait.ge [sflag:s29], $0x60;
	(pc) =	sbr.rel @p0 .LBB2_1-.Ltmp1, $4  }
0xec: {  	[sflag:s29] =	ssyncset.done $0x0  }
0xed: {  	[sflag:s29] =	ssyncadd.s32 $0xFFFFFFA0  }
0xee: {  	_ =	swait.ge [sflag:s29], $0x60  }
0xef: {  	s2 =	sadd.s32 $0xFFFFFFFF, s2;
	[sflag:s29] =	ssyncset.done $0x0  }
.LBB2_2:
0xf0: {  	[sflag:s29] =	ssyncadd.s32 $0xFFFFFFA0  }
0xf1: {  	_ =	swait.ge [sflag:s29], $0x20  }
0xf2: {  	[sflag:s29] =	ssyncset.done $0x0  }
0xf3: {  	s0 =	rddreg [dreg:$0x9];
	[sflag:s29] =	ssyncadd.s32 $0xFFFFFFE0  }
0xf4: {  	[hbm4b:s0+s5] =	stream.strided.scatter [tilespmem:s8], [sflag:$0x2], $0x680, s7, s5, $0x38;
	[tilespmem:$0xD00] =	vst v63  }
0xf5: {  	_ =	swait.ge [sflag:s6], $0x680  }
0xf6: {  	[sflag:s6] =	ssyncset.done $0x0  }
0xf7: {  	[sflag:s6] =	ssyncadd.s32 $0xFFFFF980  }
0xf8: {  	_ =	sfence.sel $0x180000  }
0xf9: {  	[bflag:$0x0] =	sbarrier.arrive $0xFFFF  }
0xfa: {  	_ =	strace $0x90000047  }
0xfb: {  	s31 =	stileid.u32;
	[bflag:$0x2] =	sbarrier.arrive $0xFFFF  }
0xfc: {  	p0 =	sne.s32 s31, $0x0;
	s0 =	rddreg [dreg:$0x5]  }
0xfd: {  	s0 =	sadd.s32 @!p0 $0x100000, s0  }
0xfe: {  	[sflag:s0] =	ssyncadd.tile.s32 @!p0 $0x1;
	_ =	shalt  }
.Lfunc_end2:
_tile_overlayer_lowered:
.L_overlay_start_2:
0xff: {  	(tag) =	ssettag $0x2  }
0x100: {  	s0 =	rddreg [dreg:$0x0];
	s2 =	stileid.u32  }
0x101: {  	s1 =	rddreg [dreg:$0x1];
	p0 =	sne.s32 s2, $0x0  }
0x102: {  	s3 =	rddreg [dreg:$0x2];
	[bflag:$0x3] =	sbarrier.arrive $0xFFFF;
	s2 =	simm.s32 @!p0 $0x1C02  }
0x103: {  	[timem:s3], [sflag:s2] =	dma.local @!p0 [hbm:s0], s1  }
0x104: {  	s0 =	simm.s32 @!p0 $0x2  }
0x105: {  	_ =	swait.ge @!p0 [sflag:s0], s1  }
0x106: {  	s1 =	ssub.s32 @!p0 $0x0, s1;
	[sflag:s0] =	ssyncset.done @!p0 $0x0  }
0x107: {  	[sflag:s0] =	ssyncadd.s32 @!p0 s1  }
0x108: {  	[bflag:$0x3] =	sbarrier.arrive $0xFFFF  }
0x109: {  	_ =	shalt  }

</sc_bundles>
